<compile_context>
chip_gen: v7x
topology: tpu7x:2x2x1
jax: 0.10.2.dev20260603
libtpu: 0.0.44.dev20260713+nightly
codegen_flags: <defaults>
</compile_context>

<pallas_src>
import functools

import jax
import jax.numpy as jnp
from jax import lax
from jax.experimental import pallas as pl
from jax.experimental.pallas import tpu as pltpu
from jax.experimental.pallas import tpu_sc as plsc

HASH_BIN = 100000
EMB_DIM = 32
H1 = 32
H2 = 64
BATCH = 16384
FIELDS = 26

TOTAL = BATCH * FIELDS
NW = 32
ROWS_PER_W = TOTAL // NW
CHUNK = 128
NCHUNK = ROWS_PER_W // CHUNK

HALF_ROWS = HASH_BIN // 2
ROW_BLOCK = 2000
N_BLOCKS = HALF_ROWS // ROW_BLOCK


def _mlp_body(ta_ref, tb_ref, w1_ref, b1_ref, w2_ref, b2_ref, o_ref):
    w1 = w1_ref[...]
    b1 = b1_ref[...]
    w2 = w2_ref[...]
    b2 = b2_ref[...]
    for half, t_ref in ((0, ta_ref), (1, tb_ref)):
        h = jnp.dot(t_ref[...], w1, preferred_element_type=jnp.float32)
        h = jnp.maximum(h + b1, 0.0)
        o = jnp.dot(h, w2, preferred_element_type=jnp.float32)
        o_ref[:, half * H2:(half + 1) * H2] = jnp.maximum(o + b2, 0.0)


def _table_mlp(table, W1, b1, W2, b2):
    return pl.pallas_call(
        _mlp_body,
        grid=(N_BLOCKS,),
        in_specs=[
            pl.BlockSpec((ROW_BLOCK, EMB_DIM), lambda i: (i, 0)),
            pl.BlockSpec((ROW_BLOCK, EMB_DIM),
                         lambda i: (i + N_BLOCKS, 0)),
            pl.BlockSpec((EMB_DIM, H1), lambda i: (0, 0)),
            pl.BlockSpec((1, H1), lambda i: (0, 0)),
            pl.BlockSpec((H1, H2), lambda i: (0, 0)),
            pl.BlockSpec((1, H2), lambda i: (0, 0)),
        ],
        out_specs=pl.BlockSpec((ROW_BLOCK, 2 * H2), lambda i: (i, 0)),
        out_shape=jax.ShapeDtypeStruct((HALF_ROWS, 2 * H2), jnp.float32),
    )(table, table, W1, b1, W2, b2)


NSLICE = 2
SLICE_ROWS = TOTAL // NSLICE
SLICE_B = BATCH // NSLICE
RELAYOUT_BB = 32


def _relayout_slice_body(x_ref, o_ref):
    o_ref[...] = x_ref[...].reshape(RELAYOUT_BB * 8, FIELDS * H2)


def _relayout_slice_buf_body(x_ref, b_ref, o_ref):
    del b_ref
    o_ref[...] = x_ref[...].reshape(RELAYOUT_BB * 8, FIELDS * H2)


def _relayout_slice(flat_s, buf, s):
    x = flat_s.reshape(SLICE_B // 8, 104, 128)
    blocks = SLICE_B // 8 // RELAYOUT_BB
    off = s * blocks
    x_spec = pl.BlockSpec((RELAYOUT_BB, 104, 128), lambda i: (i, 0, 0))
    o_spec = pl.BlockSpec((RELAYOUT_BB * 8, FIELDS * H2),
                          lambda i, off=off: (i + off, 0))
    o_shape = jax.ShapeDtypeStruct((BATCH, FIELDS * H2), jnp.float32)
    if buf is None:
        return pl.pallas_call(
            _relayout_slice_body, grid=(blocks,), in_specs=[x_spec],
            out_specs=o_spec, out_shape=o_shape,
        )(x)
    return pl.pallas_call(
        _relayout_slice_buf_body, grid=(blocks,),
        in_specs=[x_spec, pl.BlockSpec(memory_space=pl.ANY)],
        out_specs=o_spec, out_shape=o_shape,
        input_output_aliases={1: 0},
    )(x, buf)


@functools.lru_cache(maxsize=None)
def _make_sc_gather(nrows):
    rows_per_w = nrows // NW
    nchunk = rows_per_w // CHUNK
    mesh = plsc.VectorSubcoreMesh(core_axis_name="c", subcore_axis_name="s")

    @functools.partial(
        pl.kernel,
        out_type=jax.ShapeDtypeStruct((nrows, H2), jnp.float32),
        mesh=mesh,
        scratch_types=[
            pltpu.VMEM((nchunk, CHUNK), jnp.int32),
            pltpu.VMEM((CHUNK, H2), jnp.float32),
            pltpu.VMEM((CHUNK, H2), jnp.float32),
            pltpu.VMEM((CHUNK, H2), jnp.float32),
            pltpu.VMEM((CHUNK, H2), jnp.float32),
            pltpu.SemaphoreType.DMA,
            pltpu.SemaphoreType.DMA,
            pltpu.SemaphoreType.DMA,
            pltpu.SemaphoreType.DMA,
            pltpu.SemaphoreType.DMA,
            pltpu.SemaphoreType.DMA,
            pltpu.SemaphoreType.DMA,
            pltpu.SemaphoreType.DMA,
        ],
        compiler_params=pltpu.CompilerParams(use_tc_tiling_on_sc=False),
    )
    def _sc_gather(t2_hbm, idx_hbm, out_hbm, idx_v, rows0, rows1, rows2,
                   rows3, gsem0, gsem1, gsem2, gsem3, wsem0, wsem1, wsem2,
                   wsem3):
        wid = lax.axis_index("s") * 2 + lax.axis_index("c")
        pltpu.sync_copy(idx_hbm.at[wid], idx_v)
        base = wid * rows_per_w
        rows = (rows0, rows1, rows2, rows3)
        gsem = (gsem0, gsem1, gsem2, gsem3)
        wsem = (wsem0, wsem1, wsem2, wsem3)

        def g_start(j, b):
            pltpu.async_copy(t2_hbm.at[idx_v.at[j]], rows[b], gsem[b])

        def g_wait(b):
            pltpu.make_async_copy(t2_hbm.at[idx_v.at[0]], rows[b],
                                  gsem[b]).wait()

        def w_start(j, b):
            pltpu.async_copy(rows[b],
                             out_hbm.at[pl.ds(base + j * CHUNK, CHUNK)],
                             wsem[b])

        def w_wait(b):
            pltpu.make_async_copy(rows[b], out_hbm.at[pl.ds(base, CHUNK)],
                                  wsem[b]).wait()

        g_start(0, 0)
        g_start(1, 1)
        g_start(2, 2)

        def step(j, u):
            b = u
            bp = (u + 3) % 4

            @pl.when(j >= 1)
            def _():
                w_wait(bp)

            @pl.when(j + 3 < nchunk)
            def _():
                g_start(j + 3, bp)

            g_wait(b)
            w_start(j, b)

        def body(i, carry):
            for u in range(4):
                step(4 * i + u, u)
            return carry

        lax.fori_loop(0, nchunk // 4, body, 0)
        w_wait((nchunk - 1) % 4)

    return _sc_gather


def kernel(inputs, table, W1, b1, W2, b2):
    t2 = _table_mlp(table, W1.astype(jnp.float32), b1.reshape(1, H1),
                    W2.astype(jnp.float32), b2.reshape(1, H2))
    t2 = t2.reshape(HASH_BIN, H2)
    nchunk_s = SLICE_ROWS // NW // CHUNK
    v = jnp.mod(inputs, HASH_BIN)
    v = 2 * jnp.mod(v, HALF_ROWS) + v // HALF_ROWS
    idx = v.reshape(NSLICE, NW, nchunk_s, CHUNK)
    gather = _make_sc_gather(SLICE_ROWS)
    buf = None
    for s in range(NSLICE):
        out_s = gather(t2, idx[s])
        buf = _relayout_slice(out_s, buf, s)
    return buf

# --- scband reference (transcript-rebuilt; emitter-appended) ---
"""Pipeline reference for scband-cat-tower-84911503442624 (READ-ONLY COPY).

The authoritative reference and input builder live on the scoring server;
editing this copy changes nothing except your own understanding.
"""

import jax, jax.numpy as jnp
import numpy as np

HASH_BIN = 100000
EMB_DIM = 32
TOWER = [32, 64]
BATCH = 16384
FIELDS = 26


def setup_inputs(seed: int = 0) -> dict:
    key = jax.random.key(seed)
    k_idx, k_tab, k_w1, k_b1, k_w2, k_b2 = jax.random.split(key, 6)
    inputs = jax.random.randint(k_idx, (BATCH, FIELDS), 0, HASH_BIN, dtype=jnp.int64 if jax.config.read('jax_enable_x64') else jnp.int32).astype(jnp.int32)
    table = jax.random.normal(k_tab, (HASH_BIN, EMB_DIM), dtype=jnp.float32) * 0.05
    # He-uniform style init for dense layers
    lim1 = np.sqrt(6.0 / EMB_DIM)
    W1 = jax.random.uniform(k_w1, (EMB_DIM, TOWER[0]), minval=-lim1, maxval=lim1, dtype=jnp.float32)
    b1 = jnp.zeros((TOWER[0],), dtype=jnp.float32)
    lim2 = np.sqrt(6.0 / TOWER[0])
    W2 = jax.random.uniform(k_w2, (TOWER[0], TOWER[1]), minval=-lim2, maxval=lim2, dtype=jnp.float32)
    b2 = jnp.zeros((TOWER[1],), dtype=jnp.float32)
    return {"inputs": inputs, "table": table, "W1": W1, "b1": b1, "W2": W2, "b2": b2}


def reference(inputs, table, W1, b1, W2, b2):
    # Hashing layer: deterministic hash into [0, HASH_BIN). Emulated with modulo
    # since inputs are already integer ids.
    idx = jnp.mod(inputs, HASH_BIN)
    # Embedding lookup (gather)
    x = jnp.take(table, idx, axis=0)            # [B, F, emb_dim]
    # Dense tower with relu activations, applied on last axis (Keras Dense semantics)
    h = jax.nn.relu(jnp.einsum('bfd,do->bfo', x, W1) + b1)
    h = jax.nn.relu(jnp.einsum('bfd,do->bfo', h, W2) + b2)
    # Flatten
    out = h.reshape(h.shape[0], -1)             # [B, F * 64]
    return out

if __name__ == "__main__":
    import jax
    _d = setup_inputs()
    print(jax.jit(kernel)(*tuple(_d.values())))

</pallas_src>

<mosaic_0001>
#map = affine_map<(d0, d1) -> (0, 0)>
#map1 = affine_map<(d0, d1) -> (0, 0, 0)>
module attributes {stable_mosaic.version = 14 : i64} {
  func.func @_sc_gather(%arg0: i32, %arg1: i32, %arg2: memref<100000x64xf32, #tpu.memory_space<hbm>>, %arg3: memref<32x52x128xi32, #tpu.memory_space<hbm>>, %arg4: memref<212992x64xf32, #tpu.memory_space<hbm>>, %arg5: memref<52x128xi32, #tpu.memory_space<vmem>>, %arg6: memref<128x64xf32, #tpu.memory_space<vmem>>, %arg7: memref<128x64xf32, #tpu.memory_space<vmem>>, %arg8: memref<128x64xf32, #tpu.memory_space<vmem>>, %arg9: memref<128x64xf32, #tpu.memory_space<vmem>>, %arg10: memref<!tpu.dma_semaphore, #tpu.memory_space<semaphore_mem>>, %arg11: memref<!tpu.dma_semaphore, #tpu.memory_space<semaphore_mem>>, %arg12: memref<!tpu.dma_semaphore, #tpu.memory_space<semaphore_mem>>, %arg13: memref<!tpu.dma_semaphore, #tpu.memory_space<semaphore_mem>>, %arg14: memref<!tpu.dma_semaphore, #tpu.memory_space<semaphore_mem>>, %arg15: memref<!tpu.dma_semaphore, #tpu.memory_space<semaphore_mem>>, %arg16: memref<!tpu.dma_semaphore, #tpu.memory_space<semaphore_mem>>, %arg17: memref<!tpu.dma_semaphore, #tpu.memory_space<semaphore_mem>>) attributes {dimension_semantics = [#tpu.dimension_semantics<core_parallel>, #tpu.dimension_semantics<subcore_parallel>], iteration_bounds = array<i64: 2, 16>, scalar_prefetch = 0 : i64, scratch_operands = 13 : i64, tpu.core_type = #tpu.core_type<sc_vector_subcore>, window_params = [{transform_indices = #map}, {transform_indices = #map1}, {transform_indices = #map}]} {
    %mul3A = arith.constant 2 : i32
    %mul3A_0 = arith.muli %arg1, %mul3A : i32
    %add3A = arith.addi %mul3A_0, %arg0 : i32
    "tpu.region"() ({
      %run_scoped3A = tpu.sem_alloc : memref<!tpu.dma_semaphore, #tpu.memory_space<semaphore_mem>>
      %dma_start3A_31 = arith.constant 0 : i32
      %dma_start3A_32 = arith.constant 0 : i32
      %dma_start3A_33 = tpu.memref_slice %arg3[%add3A, %dma_start3A_31, %dma_start3A_32] : memref<32x52x128xi32, #tpu.memory_space<hbm>> -> memref<1x52x128xi32, #tpu.memory_space<hbm>>
      %dma_start3A_34 = tpu.memref_squeeze %dma_start3A_33 : memref<1x52x128xi32, #tpu.memory_space<hbm>> -> memref<52x128xi32, #tpu.memory_space<hbm>>
      %dma_start3A_35 = arith.constant 0 : i32
      %dma_start3A_36 = arith.constant 0 : i32
      %dma_start3A_37 = tpu.memref_slice %arg3[%add3A, %dma_start3A_35, %dma_start3A_36] : memref<32x52x128xi32, #tpu.memory_space<hbm>> -> memref<1x52x128xi32, #tpu.memory_space<hbm>>
      %dma_start3A_38 = tpu.memref_squeeze %dma_start3A_37 : memref<1x52x128xi32, #tpu.memory_space<hbm>> -> memref<52x128xi32, #tpu.memory_space<hbm>>
      tpu.enqueue_dma source(%dma_start3A_38 : memref<52x128xi32, #tpu.memory_space<hbm>>) target(%arg5 : memref<52x128xi32, #tpu.memory_space<vmem>>) target_semaphore(%run_scoped3A : memref<!tpu.dma_semaphore, #tpu.memory_space<semaphore_mem>>)
      %dma_wait3A_39 = arith.constant 0 : i32
      %dma_wait3A_40 = arith.constant 0 : i32
      %dma_wait3A_41 = tpu.memref_slice %arg3[%add3A, %dma_wait3A_39, %dma_wait3A_40] : memref<32x52x128xi32, #tpu.memory_space<hbm>> -> memref<1x52x128xi32, #tpu.memory_space<hbm>>
      %dma_wait3A_42 = tpu.memref_squeeze %dma_wait3A_41 : memref<1x52x128xi32, #tpu.memory_space<hbm>> -> memref<52x128xi32, #tpu.memory_space<hbm>>
      %dma_wait3A_43 = arith.constant 0 : i32
      %dma_wait3A_44 = arith.constant 0 : i32
      %dma_wait3A_45 = tpu.memref_slice %arg3[%add3A, %dma_wait3A_43, %dma_wait3A_44] : memref<32x52x128xi32, #tpu.memory_space<hbm>> -> memref<1x52x128xi32, #tpu.memory_space<hbm>>
      %dma_wait3A_46 = tpu.memref_squeeze %dma_wait3A_45 : memref<1x52x128xi32, #tpu.memory_space<hbm>> -> memref<52x128xi32, #tpu.memory_space<hbm>>
      tpu.wait_dma2 semaphore(%run_scoped3A : memref<!tpu.dma_semaphore, #tpu.memory_space<semaphore_mem>>) src(%dma_wait3A_46 : memref<52x128xi32, #tpu.memory_space<hbm>>) dst(%arg5 : memref<52x128xi32, #tpu.memory_space<vmem>>)
      tpu.yield
    }) : () -> ()
    %mul3A_1 = arith.constant 6656 : i32
    %mul3A_2 = arith.muli %add3A, %mul3A_1 : i32
    %dma_start3A = arith.constant 0 : i32
    %dma_start3A_3 = arith.constant 0 : i32
    %dma_start3A_4 = tpu.memref_slice %arg5[%dma_start3A, %dma_start3A_3] : memref<52x128xi32, #tpu.memory_space<vmem>> -> memref<1x128xi32, #tpu.memory_space<vmem>>
    %dma_start3A_5 = tpu.memref_squeeze %dma_start3A_4 : memref<1x128xi32, #tpu.memory_space<vmem>> -> memref<128xi32, #tpu.memory_space<vmem>>
    %dma_start3A_6 = arith.constant 0 : i32
    %dma_start3A_7 = arith.constant 0 : i32
    %dma_start3A_8 = tpu.memref_slice %arg2[%dma_start3A_6, %dma_start3A_7] : memref<100000x64xf32, #tpu.memory_space<hbm>> -> memref<100000x64xf32, #tpu.memory_space<hbm>>
    tpu.enqueue_indirect_dma source(%dma_start3A_8 : memref<100000x64xf32, #tpu.memory_space<hbm>>) target(%arg6 : memref<128x64xf32, #tpu.memory_space<vmem>>) offsets(%dma_start3A_5 : memref<128xi32, #tpu.memory_space<vmem>>) semaphore(%arg10 : memref<!tpu.dma_semaphore, #tpu.memory_space<semaphore_mem>>)
    %dma_start3A_9 = arith.constant 1 : i32
    %dma_start3A_10 = arith.constant 0 : i32
    %dma_start3A_11 = tpu.memref_slice %arg5[%dma_start3A_9, %dma_start3A_10] : memref<52x128xi32, #tpu.memory_space<vmem>> -> memref<1x128xi32, #tpu.memory_space<vmem>>
    %dma_start3A_12 = tpu.memref_squeeze %dma_start3A_11 : memref<1x128xi32, #tpu.memory_space<vmem>> -> memref<128xi32, #tpu.memory_space<vmem>>
    %dma_start3A_13 = arith.constant 0 : i32
    %dma_start3A_14 = arith.constant 0 : i32
    %dma_start3A_15 = tpu.memref_slice %arg2[%dma_start3A_13, %dma_start3A_14] : memref<100000x64xf32, #tpu.memory_space<hbm>> -> memref<100000x64xf32, #tpu.memory_space<hbm>>
    tpu.enqueue_indirect_dma source(%dma_start3A_15 : memref<100000x64xf32, #tpu.memory_space<hbm>>) target(%arg7 : memref<128x64xf32, #tpu.memory_space<vmem>>) offsets(%dma_start3A_12 : memref<128xi32, #tpu.memory_space<vmem>>) semaphore(%arg11 : memref<!tpu.dma_semaphore, #tpu.memory_space<semaphore_mem>>)
    %dma_start3A_16 = arith.constant 2 : i32
    %dma_start3A_17 = arith.constant 0 : i32
    %dma_start3A_18 = tpu.memref_slice %arg5[%dma_start3A_16, %dma_start3A_17] : memref<52x128xi32, #tpu.memory_space<vmem>> -> memref<1x128xi32, #tpu.memory_space<vmem>>
    %dma_start3A_19 = tpu.memref_squeeze %dma_start3A_18 : memref<1x128xi32, #tpu.memory_space<vmem>> -> memref<128xi32, #tpu.memory_space<vmem>>
    %dma_start3A_20 = arith.constant 0 : i32
    %dma_start3A_21 = arith.constant 0 : i32
    %dma_start3A_22 = tpu.memref_slice %arg2[%dma_start3A_20, %dma_start3A_21] : memref<100000x64xf32, #tpu.memory_space<hbm>> -> memref<100000x64xf32, #tpu.memory_space<hbm>>
    tpu.enqueue_indirect_dma source(%dma_start3A_22 : memref<100000x64xf32, #tpu.memory_space<hbm>>) target(%arg8 : memref<128x64xf32, #tpu.memory_space<vmem>>) offsets(%dma_start3A_19 : memref<128xi32, #tpu.memory_space<vmem>>) semaphore(%arg12 : memref<!tpu.dma_semaphore, #tpu.memory_space<semaphore_mem>>)
    %scan3A = arith.constant 0 : i32
    %scan3A_23 = arith.constant 0 : i32
    %scan3A_24 = arith.constant 13 : i32
    %scan3A_25 = arith.addi %scan3A_23, %scan3A_24 : i32
    %scan3A_26 = arith.constant 1 : i32
    scf.for %scan3A_31 = %scan3A_23 to %scan3A_25 step %scan3A_26  : i32 {
      %mul3A_32 = arith.constant 4 : i32
      %mul3A_33 = arith.muli %mul3A_32, %scan3A_31 : i32
      %add3A_34 = arith.constant 0 : i32
      %add3A_35 = arith.addi %mul3A_33, %add3A_34 : i32
      %ge3A = arith.constant 1 : i32
      %ge3A_36 = arith.cmpi sge, %add3A_35, %ge3A : i32
      %convert_element_type3A = arith.extui %ge3A_36 : i1 to i32
      %cond3A = arith.constant 0 : i32
      %cond3A_37 = arith.cmpi ne, %convert_element_type3A, %cond3A : i32
      scf.if %cond3A_37 {
        %dma_wait3A_148 = arith.constant 0 : i32
        %dma_wait3A_149 = tpu.memref_slice %arg4[%mul3A_2, %dma_wait3A_148] : memref<212992x64xf32, #tpu.memory_space<hbm>> -> memref<128x64xf32, #tpu.memory_space<hbm>>
        %dma_wait3A_150 = arith.constant 0 : i32
        %dma_wait3A_151 = tpu.memref_slice %arg4[%mul3A_2, %dma_wait3A_150] : memref<212992x64xf32, #tpu.memory_space<hbm>> -> memref<128x64xf32, #tpu.memory_space<hbm>>
        tpu.wait_dma2 semaphore(%arg17 : memref<!tpu.dma_semaphore, #tpu.memory_space<semaphore_mem>>) src(%arg9 : memref<128x64xf32, #tpu.memory_space<vmem>>) dst(%dma_wait3A_151 : memref<128x64xf32, #tpu.memory_space<hbm>>)
      } else {
      }
      %add3A_38 = arith.constant 3 : i32
      %add3A_39 = arith.addi %add3A_35, %add3A_38 : i32
      %lt3A = arith.constant 52 : i32
      %lt3A_40 = arith.cmpi slt, %add3A_39, %lt3A : i32
      %convert_element_type3A_41 = arith.extui %lt3A_40 : i1 to i32
      %cond3A_42 = arith.constant 0 : i32
      %cond3A_43 = arith.cmpi ne, %convert_element_type3A_41, %cond3A_42 : i32
      scf.if %cond3A_43 {
        %add3A_148 = arith.constant 3 : i32
        %add3A_149 = arith.addi %add3A_35, %add3A_148 : i32
        %dma_start3A_150 = arith.constant 0 : i32
        %dma_start3A_151 = tpu.memref_slice %arg5[%add3A_149, %dma_start3A_150] : memref<52x128xi32, #tpu.memory_space<vmem>> -> memref<1x128xi32, #tpu.memory_space<vmem>>
        %dma_start3A_152 = tpu.memref_squeeze %dma_start3A_151 : memref<1x128xi32, #tpu.memory_space<vmem>> -> memref<128xi32, #tpu.memory_space<vmem>>
        %dma_start3A_153 = arith.constant 0 : i32
        %dma_start3A_154 = arith.constant 0 : i32
        %dma_start3A_155 = tpu.memref_slice %arg2[%dma_start3A_153, %dma_start3A_154] : memref<100000x64xf32, #tpu.memory_space<hbm>> -> memref<100000x64xf32, #tpu.memory_space<hbm>>
        tpu.enqueue_indirect_dma source(%dma_start3A_155 : memref<100000x64xf32, #tpu.memory_space<hbm>>) target(%arg9 : memref<128x64xf32, #tpu.memory_space<vmem>>) offsets(%dma_start3A_152 : memref<128xi32, #tpu.memory_space<vmem>>) semaphore(%arg13 : memref<!tpu.dma_semaphore, #tpu.memory_space<semaphore_mem>>)
      } else {
      }
      %dma_wait3A_44 = arith.constant 0 : i32
      %dma_wait3A_45 = arith.constant 0 : i32
      %dma_wait3A_46 = tpu.memref_slice %arg5[%dma_wait3A_44, %dma_wait3A_45] : memref<52x128xi32, #tpu.memory_space<vmem>> -> memref<1x128xi32, #tpu.memory_space<vmem>>
      %dma_wait3A_47 = tpu.memref_squeeze %dma_wait3A_46 : memref<1x128xi32, #tpu.memory_space<vmem>> -> memref<128xi32, #tpu.memory_space<vmem>>
      %dma_wait3A_48 = arith.constant 0 : i32
      %dma_wait3A_49 = arith.constant 0 : i32
      %dma_wait3A_50 = tpu.memref_slice %arg2[%dma_wait3A_48, %dma_wait3A_49] : memref<100000x64xf32, #tpu.memory_space<hbm>> -> memref<100000x64xf32, #tpu.memory_space<hbm>>
      tpu.wait_indirect_dma semaphore(%arg10 : memref<!tpu.dma_semaphore, #tpu.memory_space<semaphore_mem>>) src(%dma_wait3A_50 : memref<100000x64xf32, #tpu.memory_space<hbm>>) dst(%arg6 : memref<128x64xf32, #tpu.memory_space<vmem>>)
      %mul3A_51 = arith.constant 128 : i32
      %mul3A_52 = arith.muli %add3A_35, %mul3A_51 : i32
      %add3A_53 = arith.addi %mul3A_2, %mul3A_52 : i32
      %dma_start3A_54 = arith.constant 0 : i32
      %dma_start3A_55 = tpu.memref_slice %arg4[%add3A_53, %dma_start3A_54] : memref<212992x64xf32, #tpu.memory_space<hbm>> -> memref<128x64xf32, #tpu.memory_space<hbm>>
      %dma_start3A_56 = arith.constant 0 : i32
      %dma_start3A_57 = tpu.memref_slice %arg4[%add3A_53, %dma_start3A_56] : memref<212992x64xf32, #tpu.memory_space<hbm>> -> memref<128x64xf32, #tpu.memory_space<hbm>>
      tpu.enqueue_dma source(%arg6 : memref<128x64xf32, #tpu.memory_space<vmem>>) target(%dma_start3A_57 : memref<128x64xf32, #tpu.memory_space<hbm>>) target_semaphore(%arg14 : memref<!tpu.dma_semaphore, #tpu.memory_space<semaphore_mem>>)
      %mul3A_58 = arith.constant 4 : i32
      %mul3A_59 = arith.muli %mul3A_58, %scan3A_31 : i32
      %add3A_60 = arith.constant 1 : i32
      %add3A_61 = arith.addi %mul3A_59, %add3A_60 : i32
      %ge3A_62 = arith.constant 1 : i32
      %ge3A_63 = arith.cmpi sge, %add3A_61, %ge3A_62 : i32
      %convert_element_type3A_64 = arith.extui %ge3A_63 : i1 to i32
      %cond3A_65 = arith.constant 0 : i32
      %cond3A_66 = arith.cmpi ne, %convert_element_type3A_64, %cond3A_65 : i32
      scf.if %cond3A_66 {
        %dma_wait3A_148 = arith.constant 0 : i32
        %dma_wait3A_149 = tpu.memref_slice %arg4[%mul3A_2, %dma_wait3A_148] : memref<212992x64xf32, #tpu.memory_space<hbm>> -> memref<128x64xf32, #tpu.memory_space<hbm>>
        %dma_wait3A_150 = arith.constant 0 : i32
        %dma_wait3A_151 = tpu.memref_slice %arg4[%mul3A_2, %dma_wait3A_150] : memref<212992x64xf32, #tpu.memory_space<hbm>> -> memref<128x64xf32, #tpu.memory_space<hbm>>
        tpu.wait_dma2 semaphore(%arg14 : memref<!tpu.dma_semaphore, #tpu.memory_space<semaphore_mem>>) src(%arg6 : memref<128x64xf32, #tpu.memory_space<vmem>>) dst(%dma_wait3A_151 : memref<128x64xf32, #tpu.memory_space<hbm>>)
      } else {
      }
      %add3A_67 = arith.constant 3 : i32
      %add3A_68 = arith.addi %add3A_61, %add3A_67 : i32
      %lt3A_69 = arith.constant 52 : i32
      %lt3A_70 = arith.cmpi slt, %add3A_68, %lt3A_69 : i32
      %convert_element_type3A_71 = arith.extui %lt3A_70 : i1 to i32
      %cond3A_72 = arith.constant 0 : i32
      %cond3A_73 = arith.cmpi ne, %convert_element_type3A_71, %cond3A_72 : i32
      scf.if %cond3A_73 {
        %add3A_148 = arith.constant 3 : i32
        %add3A_149 = arith.addi %add3A_61, %add3A_148 : i32
        %dma_start3A_150 = arith.constant 0 : i32
        %dma_start3A_151 = tpu.memref_slice %arg5[%add3A_149, %dma_start3A_150] : memref<52x128xi32, #tpu.memory_space<vmem>> -> memref<1x128xi32, #tpu.memory_space<vmem>>
        %dma_start3A_152 = tpu.memref_squeeze %dma_start3A_151 : memref<1x128xi32, #tpu.memory_space<vmem>> -> memref<128xi32, #tpu.memory_space<vmem>>
        %dma_start3A_153 = arith.constant 0 : i32
        %dma_start3A_154 = arith.constant 0 : i32
        %dma_start3A_155 = tpu.memref_slice %arg2[%dma_start3A_153, %dma_start3A_154] : memref<100000x64xf32, #tpu.memory_space<hbm>> -> memref<100000x64xf32, #tpu.memory_space<hbm>>
        tpu.enqueue_indirect_dma source(%dma_start3A_155 : memref<100000x64xf32, #tpu.memory_space<hbm>>) target(%arg6 : memref<128x64xf32, #tpu.memory_space<vmem>>) offsets(%dma_start3A_152 : memref<128xi32, #tpu.memory_space<vmem>>) semaphore(%arg10 : memref<!tpu.dma_semaphore, #tpu.memory_space<semaphore_mem>>)
      } else {
      }
      %dma_wait3A_74 = arith.constant 0 : i32
      %dma_wait3A_75 = arith.constant 0 : i32
      %dma_wait3A_76 = tpu.memref_slice %arg5[%dma_wait3A_74, %dma_wait3A_75] : memref<52x128xi32, #tpu.memory_space<vmem>> -> memref<1x128xi32, #tpu.memory_space<vmem>>
      %dma_wait3A_77 = tpu.memref_squeeze %dma_wait3A_76 : memref<1x128xi32, #tpu.memory_space<vmem>> -> memref<128xi32, #tpu.memory_space<vmem>>
      %dma_wait3A_78 = arith.constant 0 : i32
      %dma_wait3A_79 = arith.constant 0 : i32
      %dma_wait3A_80 = tpu.memref_slice %arg2[%dma_wait3A_78, %dma_wait3A_79] : memref<100000x64xf32, #tpu.memory_space<hbm>> -> memref<100000x64xf32, #tpu.memory_space<hbm>>
      tpu.wait_indirect_dma semaphore(%arg11 : memref<!tpu.dma_semaphore, #tpu.memory_space<semaphore_mem>>) src(%dma_wait3A_80 : memref<100000x64xf32, #tpu.memory_space<hbm>>) dst(%arg7 : memref<128x64xf32, #tpu.memory_space<vmem>>)
      %mul3A_81 = arith.constant 128 : i32
      %mul3A_82 = arith.muli %add3A_61, %mul3A_81 : i32
      %add3A_83 = arith.addi %mul3A_2, %mul3A_82 : i32
      %dma_start3A_84 = arith.constant 0 : i32
      %dma_start3A_85 = tpu.memref_slice %arg4[%add3A_83, %dma_start3A_84] : memref<212992x64xf32, #tpu.memory_space<hbm>> -> memref<128x64xf32, #tpu.memory_space<hbm>>
      %dma_start3A_86 = arith.constant 0 : i32
      %dma_start3A_87 = tpu.memref_slice %arg4[%add3A_83, %dma_start3A_86] : memref<212992x64xf32, #tpu.memory_space<hbm>> -> memref<128x64xf32, #tpu.memory_space<hbm>>
      tpu.enqueue_dma source(%arg7 : memref<128x64xf32, #tpu.memory_space<vmem>>) target(%dma_start3A_87 : memref<128x64xf32, #tpu.memory_space<hbm>>) target_semaphore(%arg15 : memref<!tpu.dma_semaphore, #tpu.memory_space<semaphore_mem>>)
      %mul3A_88 = arith.constant 4 : i32
      %mul3A_89 = arith.muli %mul3A_88, %scan3A_31 : i32
      %add3A_90 = arith.constant 2 : i32
      %add3A_91 = arith.addi %mul3A_89, %add3A_90 : i32
      %ge3A_92 = arith.constant 1 : i32
      %ge3A_93 = arith.cmpi sge, %add3A_91, %ge3A_92 : i32
      %convert_element_type3A_94 = arith.extui %ge3A_93 : i1 to i32
      %cond3A_95 = arith.constant 0 : i32
      %cond3A_96 = arith.cmpi ne, %convert_element_type3A_94, %cond3A_95 : i32
      scf.if %cond3A_96 {
        %dma_wait3A_148 = arith.constant 0 : i32
        %dma_wait3A_149 = tpu.memref_slice %arg4[%mul3A_2, %dma_wait3A_148] : memref<212992x64xf32, #tpu.memory_space<hbm>> -> memref<128x64xf32, #tpu.memory_space<hbm>>
        %dma_wait3A_150 = arith.constant 0 : i32
        %dma_wait3A_151 = tpu.memref_slice %arg4[%mul3A_2, %dma_wait3A_150] : memref<212992x64xf32, #tpu.memory_space<hbm>> -> memref<128x64xf32, #tpu.memory_space<hbm>>
        tpu.wait_dma2 semaphore(%arg15 : memref<!tpu.dma_semaphore, #tpu.memory_space<semaphore_mem>>) src(%arg7 : memref<128x64xf32, #tpu.memory_space<vmem>>) dst(%dma_wait3A_151 : memref<128x64xf32, #tpu.memory_space<hbm>>)
      } else {
      }
      %add3A_97 = arith.constant 3 : i32
      %add3A_98 = arith.addi %add3A_91, %add3A_97 : i32
      %lt3A_99 = arith.constant 52 : i32
      %lt3A_100 = arith.cmpi slt, %add3A_98, %lt3A_99 : i32
      %convert_element_type3A_101 = arith.extui %lt3A_100 : i1 to i32
      %cond3A_102 = arith.constant 0 : i32
      %cond3A_103 = arith.cmpi ne, %convert_element_type3A_101, %cond3A_102 : i32
      scf.if %cond3A_103 {
        %add3A_148 = arith.constant 3 : i32
        %add3A_149 = arith.addi %add3A_91, %add3A_148 : i32
        %dma_start3A_150 = arith.constant 0 : i32
        %dma_start3A_151 = tpu.memref_slice %arg5[%add3A_149, %dma_start3A_150] : memref<52x128xi32, #tpu.memory_space<vmem>> -> memref<1x128xi32, #tpu.memory_space<vmem>>
        %dma_start3A_152 = tpu.memref_squeeze %dma_start3A_151 : memref<1x128xi32, #tpu.memory_space<vmem>> -> memref<128xi32, #tpu.memory_space<vmem>>
        %dma_start3A_153 = arith.constant 0 : i32
        %dma_start3A_154 = arith.constant 0 : i32
        %dma_start3A_155 = tpu.memref_slice %arg2[%dma_start3A_153, %dma_start3A_154] : memref<100000x64xf32, #tpu.memory_space<hbm>> -> memref<100000x64xf32, #tpu.memory_space<hbm>>
        tpu.enqueue_indirect_dma source(%dma_start3A_155 : memref<100000x64xf32, #tpu.memory_space<hbm>>) target(%arg7 : memref<128x64xf32, #tpu.memory_space<vmem>>) offsets(%dma_start3A_152 : memref<128xi32, #tpu.memory_space<vmem>>) semaphore(%arg11 : memref<!tpu.dma_semaphore, #tpu.memory_space<semaphore_mem>>)
      } else {
      }
      %dma_wait3A_104 = arith.constant 0 : i32
      %dma_wait3A_105 = arith.constant 0 : i32
      %dma_wait3A_106 = tpu.memref_slice %arg5[%dma_wait3A_104, %dma_wait3A_105] : memref<52x128xi32, #tpu.memory_space<vmem>> -> memref<1x128xi32, #tpu.memory_space<vmem>>
      %dma_wait3A_107 = tpu.memref_squeeze %dma_wait3A_106 : memref<1x128xi32, #tpu.memory_space<vmem>> -> memref<128xi32, #tpu.memory_space<vmem>>
      %dma_wait3A_108 = arith.constant 0 : i32
      %dma_wait3A_109 = arith.constant 0 : i32
      %dma_wait3A_110 = tpu.memref_slice %arg2[%dma_wait3A_108, %dma_wait3A_109] : memref<100000x64xf32, #tpu.memory_space<hbm>> -> memref<100000x64xf32, #tpu.memory_space<hbm>>
      tpu.wait_indirect_dma semaphore(%arg12 : memref<!tpu.dma_semaphore, #tpu.memory_space<semaphore_mem>>) src(%dma_wait3A_110 : memref<100000x64xf32, #tpu.memory_space<hbm>>) dst(%arg8 : memref<128x64xf32, #tpu.memory_space<vmem>>)
      %mul3A_111 = arith.constant 128 : i32
      %mul3A_112 = arith.muli %add3A_91, %mul3A_111 : i32
      %add3A_113 = arith.addi %mul3A_2, %mul3A_112 : i32
      %dma_start3A_114 = arith.constant 0 : i32
      %dma_start3A_115 = tpu.memref_slice %arg4[%add3A_113, %dma_start3A_114] : memref<212992x64xf32, #tpu.memory_space<hbm>> -> memref<128x64xf32, #tpu.memory_space<hbm>>
      %dma_start3A_116 = arith.constant 0 : i32
      %dma_start3A_117 = tpu.memref_slice %arg4[%add3A_113, %dma_start3A_116] : memref<212992x64xf32, #tpu.memory_space<hbm>> -> memref<128x64xf32, #tpu.memory_space<hbm>>
      tpu.enqueue_dma source(%arg8 : memref<128x64xf32, #tpu.memory_space<vmem>>) target(%dma_start3A_117 : memref<128x64xf32, #tpu.memory_space<hbm>>) target_semaphore(%arg16 : memref<!tpu.dma_semaphore, #tpu.memory_space<semaphore_mem>>)
      %mul3A_118 = arith.constant 4 : i32
      %mul3A_119 = arith.muli %mul3A_118, %scan3A_31 : i32
      %add3A_120 = arith.constant 3 : i32
      %add3A_121 = arith.addi %mul3A_119, %add3A_120 : i32
      %ge3A_122 = arith.constant 1 : i32
      %ge3A_123 = arith.cmpi sge, %add3A_121, %ge3A_122 : i32
      %convert_element_type3A_124 = arith.extui %ge3A_123 : i1 to i32
      %cond3A_125 = arith.constant 0 : i32
      %cond3A_126 = arith.cmpi ne, %convert_element_type3A_124, %cond3A_125 : i32
      scf.if %cond3A_126 {
        %dma_wait3A_148 = arith.constant 0 : i32
        %dma_wait3A_149 = tpu.memref_slice %arg4[%mul3A_2, %dma_wait3A_148] : memref<212992x64xf32, #tpu.memory_space<hbm>> -> memref<128x64xf32, #tpu.memory_space<hbm>>
        %dma_wait3A_150 = arith.constant 0 : i32
        %dma_wait3A_151 = tpu.memref_slice %arg4[%mul3A_2, %dma_wait3A_150] : memref<212992x64xf32, #tpu.memory_space<hbm>> -> memref<128x64xf32, #tpu.memory_space<hbm>>
        tpu.wait_dma2 semaphore(%arg16 : memref<!tpu.dma_semaphore, #tpu.memory_space<semaphore_mem>>) src(%arg8 : memref<128x64xf32, #tpu.memory_space<vmem>>) dst(%dma_wait3A_151 : memref<128x64xf32, #tpu.memory_space<hbm>>)
      } else {
      }
      %add3A_127 = arith.constant 3 : i32
      %add3A_128 = arith.addi %add3A_121, %add3A_127 : i32
      %lt3A_129 = arith.constant 52 : i32
      %lt3A_130 = arith.cmpi slt, %add3A_128, %lt3A_129 : i32
      %convert_element_type3A_131 = arith.extui %lt3A_130 : i1 to i32
      %cond3A_132 = arith.constant 0 : i32
      %cond3A_133 = arith.cmpi ne, %convert_element_type3A_131, %cond3A_132 : i32
      scf.if %cond3A_133 {
        %add3A_148 = arith.constant 3 : i32
        %add3A_149 = arith.addi %add3A_121, %add3A_148 : i32
        %dma_start3A_150 = arith.constant 0 : i32
        %dma_start3A_151 = tpu.memref_slice %arg5[%add3A_149, %dma_start3A_150] : memref<52x128xi32, #tpu.memory_space<vmem>> -> memref<1x128xi32, #tpu.memory_space<vmem>>
        %dma_start3A_152 = tpu.memref_squeeze %dma_start3A_151 : memref<1x128xi32, #tpu.memory_space<vmem>> -> memref<128xi32, #tpu.memory_space<vmem>>
        %dma_start3A_153 = arith.constant 0 : i32
        %dma_start3A_154 = arith.constant 0 : i32
        %dma_start3A_155 = tpu.memref_slice %arg2[%dma_start3A_153, %dma_start3A_154] : memref<100000x64xf32, #tpu.memory_space<hbm>> -> memref<100000x64xf32, #tpu.memory_space<hbm>>
        tpu.enqueue_indirect_dma source(%dma_start3A_155 : memref<100000x64xf32, #tpu.memory_space<hbm>>) target(%arg8 : memref<128x64xf32, #tpu.memory_space<vmem>>) offsets(%dma_start3A_152 : memref<128xi32, #tpu.memory_space<vmem>>) semaphore(%arg12 : memref<!tpu.dma_semaphore, #tpu.memory_space<semaphore_mem>>)
      } else {
      }
      %dma_wait3A_134 = arith.constant 0 : i32
      %dma_wait3A_135 = arith.constant 0 : i32
      %dma_wait3A_136 = tpu.memref_slice %arg5[%dma_wait3A_134, %dma_wait3A_135] : memref<52x128xi32, #tpu.memory_space<vmem>> -> memref<1x128xi32, #tpu.memory_space<vmem>>
      %dma_wait3A_137 = tpu.memref_squeeze %dma_wait3A_136 : memref<1x128xi32, #tpu.memory_space<vmem>> -> memref<128xi32, #tpu.memory_space<vmem>>
      %dma_wait3A_138 = arith.constant 0 : i32
      %dma_wait3A_139 = arith.constant 0 : i32
      %dma_wait3A_140 = tpu.memref_slice %arg2[%dma_wait3A_138, %dma_wait3A_139] : memref<100000x64xf32, #tpu.memory_space<hbm>> -> memref<100000x64xf32, #tpu.memory_space<hbm>>
      tpu.wait_indirect_dma semaphore(%arg13 : memref<!tpu.dma_semaphore, #tpu.memory_space<semaphore_mem>>) src(%dma_wait3A_140 : memref<100000x64xf32, #tpu.memory_space<hbm>>) dst(%arg9 : memref<128x64xf32, #tpu.memory_space<vmem>>)
      %mul3A_141 = arith.constant 128 : i32
      %mul3A_142 = arith.muli %add3A_121, %mul3A_141 : i32
      %add3A_143 = arith.addi %mul3A_2, %mul3A_142 : i32
      %dma_start3A_144 = arith.constant 0 : i32
      %dma_start3A_145 = tpu.memref_slice %arg4[%add3A_143, %dma_start3A_144] : memref<212992x64xf32, #tpu.memory_space<hbm>> -> memref<128x64xf32, #tpu.memory_space<hbm>>
      %dma_start3A_146 = arith.constant 0 : i32
      %dma_start3A_147 = tpu.memref_slice %arg4[%add3A_143, %dma_start3A_146] : memref<212992x64xf32, #tpu.memory_space<hbm>> -> memref<128x64xf32, #tpu.memory_space<hbm>>
      tpu.enqueue_dma source(%arg9 : memref<128x64xf32, #tpu.memory_space<vmem>>) target(%dma_start3A_147 : memref<128x64xf32, #tpu.memory_space<hbm>>) target_semaphore(%arg17 : memref<!tpu.dma_semaphore, #tpu.memory_space<semaphore_mem>>)
    }
    %scan3A_27 = arith.constant 13 : i32
    %dma_wait3A = arith.constant 0 : i32
    %dma_wait3A_28 = tpu.memref_slice %arg4[%mul3A_2, %dma_wait3A] : memref<212992x64xf32, #tpu.memory_space<hbm>> -> memref<128x64xf32, #tpu.memory_space<hbm>>
    %dma_wait3A_29 = arith.constant 0 : i32
    %dma_wait3A_30 = tpu.memref_slice %arg4[%mul3A_2, %dma_wait3A_29] : memref<212992x64xf32, #tpu.memory_space<hbm>> -> memref<128x64xf32, #tpu.memory_space<hbm>>
    tpu.wait_dma2 semaphore(%arg17 : memref<!tpu.dma_semaphore, #tpu.memory_space<semaphore_mem>>) src(%arg9 : memref<128x64xf32, #tpu.memory_space<vmem>>) dst(%dma_wait3A_30 : memref<128x64xf32, #tpu.memory_space<hbm>>)
    return
  }
}

#map = affine_map<(d0, d1) -> (0, 0)>
#map1 = affine_map<(d0, d1) -> (0, 0, 0)>
module attributes {stable_mosaic.version = 14 : i64} {
  func.func @_sc_gather(%arg0: i32, %arg1: i32, %arg2: memref<100000x64xf32, #tpu.memory_space<hbm>>, %arg3: memref<32x52x128xi32, #tpu.memory_space<hbm>>, %arg4: memref<212992x64xf32, #tpu.memory_space<hbm>>, %arg5: memref<52x128xi32, #tpu.memory_space<vmem>>, %arg6: memref<128x64xf32, #tpu.memory_space<vmem>>, %arg7: memref<128x64xf32, #tpu.memory_space<vmem>>, %arg8: memref<128x64xf32, #tpu.memory_space<vmem>>, %arg9: memref<128x64xf32, #tpu.memory_space<vmem>>, %arg10: memref<!tpu.dma_semaphore, #tpu.memory_space<semaphore_mem>>, %arg11: memref<!tpu.dma_semaphore, #tpu.memory_space<semaphore_mem>>, %arg12: memref<!tpu.dma_semaphore, #tpu.memory_space<semaphore_mem>>, %arg13: memref<!tpu.dma_semaphore, #tpu.memory_space<semaphore_mem>>, %arg14: memref<!tpu.dma_semaphore, #tpu.memory_space<semaphore_mem>>, %arg15: memref<!tpu.dma_semaphore, #tpu.memory_space<semaphore_mem>>, %arg16: memref<!tpu.dma_semaphore, #tpu.memory_space<semaphore_mem>>, %arg17: memref<!tpu.dma_semaphore, #tpu.memory_space<semaphore_mem>>) attributes {dimension_semantics = [#tpu.dimension_semantics<core_parallel>, #tpu.dimension_semantics<subcore_parallel>], iteration_bounds = array<i64: 2, 16>, scalar_prefetch = 0 : i64, scratch_operands = 13 : i64, tpu.core_type = #tpu.core_type<sc_vector_subcore>, window_params = [{transform_indices = #map}, {transform_indices = #map1}, {transform_indices = #map}]} {
    %mul3A = arith.constant 2 : i32
    %mul3A_0 = arith.muli %arg1, %mul3A : i32
    %add3A = arith.addi %mul3A_0, %arg0 : i32
    "tpu.region"() ({
      %run_scoped3A = tpu.sem_alloc : memref<!tpu.dma_semaphore, #tpu.memory_space<semaphore_mem>>
      %dma_start3A_31 = arith.constant 0 : i32
      %dma_start3A_32 = arith.constant 0 : i32
      %dma_start3A_33 = tpu.memref_slice %arg3[%add3A, %dma_start3A_31, %dma_start3A_32] : memref<32x52x128xi32, #tpu.memory_space<hbm>> -> memref<1x52x128xi32, #tpu.memory_space<hbm>>
      %dma_start3A_34 = tpu.memref_squeeze %dma_start3A_33 : memref<1x52x128xi32, #tpu.memory_space<hbm>> -> memref<52x128xi32, #tpu.memory_space<hbm>>
      %dma_start3A_35 = arith.constant 0 : i32
      %dma_start3A_36 = arith.constant 0 : i32
      %dma_start3A_37 = tpu.memref_slice %arg3[%add3A, %dma_start3A_35, %dma_start3A_36] : memref<32x52x128xi32, #tpu.memory_space<hbm>> -> memref<1x52x128xi32, #tpu.memory_space<hbm>>
      %dma_start3A_38 = tpu.memref_squeeze %dma_start3A_37 : memref<1x52x128xi32, #tpu.memory_space<hbm>> -> memref<52x128xi32, #tpu.memory_space<hbm>>
      tpu.enqueue_dma source(%dma_start3A_38 : memref<52x128xi32, #tpu.memory_space<hbm>>) target(%arg5 : memref<52x128xi32, #tpu.memory_space<vmem>>) target_semaphore(%run_scoped3A : memref<!tpu.dma_semaphore, #tpu.memory_space<semaphore_mem>>)
      %dma_wait3A_39 = arith.constant 0 : i32
      %dma_wait3A_40 = arith.constant 0 : i32
      %dma_wait3A_41 = tpu.memref_slice %arg3[%add3A, %dma_wait3A_39, %dma_wait3A_40] : memref<32x52x128xi32, #tpu.memory_space<hbm>> -> memref<1x52x128xi32, #tpu.memory_space<hbm>>
      %dma_wait3A_42 = tpu.memref_squeeze %dma_wait3A_41 : memref<1x52x128xi32, #tpu.memory_space<hbm>> -> memref<52x128xi32, #tpu.memory_space<hbm>>
      %dma_wait3A_43 = arith.constant 0 : i32
      %dma_wait3A_44 = arith.constant 0 : i32
      %dma_wait3A_45 = tpu.memref_slice %arg3[%add3A, %dma_wait3A_43, %dma_wait3A_44] : memref<32x52x128xi32, #tpu.memory_space<hbm>> -> memref<1x52x128xi32, #tpu.memory_space<hbm>>
      %dma_wait3A_46 = tpu.memref_squeeze %dma_wait3A_45 : memref<1x52x128xi32, #tpu.memory_space<hbm>> -> memref<52x128xi32, #tpu.memory_space<hbm>>
      tpu.wait_dma2 semaphore(%run_scoped3A : memref<!tpu.dma_semaphore, #tpu.memory_space<semaphore_mem>>) src(%dma_wait3A_46 : memref<52x128xi32, #tpu.memory_space<hbm>>) dst(%arg5 : memref<52x128xi32, #tpu.memory_space<vmem>>)
      tpu.yield
    }) : () -> ()
    %mul3A_1 = arith.constant 6656 : i32
    %mul3A_2 = arith.muli %add3A, %mul3A_1 : i32
    %dma_start3A = arith.constant 0 : i32
    %dma_start3A_3 = arith.constant 0 : i32
    %dma_start3A_4 = tpu.memref_slice %arg5[%dma_start3A, %dma_start3A_3] : memref<52x128xi32, #tpu.memory_space<vmem>> -> memref<1x128xi32, #tpu.memory_space<vmem>>
    %dma_start3A_5 = tpu.memref_squeeze %dma_start3A_4 : memref<1x128xi32, #tpu.memory_space<vmem>> -> memref<128xi32, #tpu.memory_space<vmem>>
    %dma_start3A_6 = arith.constant 0 : i32
    %dma_start3A_7 = arith.constant 0 : i32
    %dma_start3A_8 = tpu.memref_slice %arg2[%dma_start3A_6, %dma_start3A_7] : memref<100000x64xf32, #tpu.memory_space<hbm>> -> memref<100000x64xf32, #tpu.memory_space<hbm>>
    tpu.enqueue_indirect_dma source(%dma_start3A_8 : memref<100000x64xf32, #tpu.memory_space<hbm>>) target(%arg6 : memref<128x64xf32, #tpu.memory_space<vmem>>) offsets(%dma_start3A_5 : memref<128xi32, #tpu.memory_space<vmem>>) semaphore(%arg10 : memref<!tpu.dma_semaphore, #tpu.memory_space<semaphore_mem>>)
    %dma_start3A_9 = arith.constant 1 : i32
    %dma_start3A_10 = arith.constant 0 : i32
    %dma_start3A_11 = tpu.memref_slice %arg5[%dma_start3A_9, %dma_start3A_10] : memref<52x128xi32, #tpu.memory_space<vmem>> -> memref<1x128xi32, #tpu.memory_space<vmem>>
    %dma_start3A_12 = tpu.memref_squeeze %dma_start3A_11 : memref<1x128xi32, #tpu.memory_space<vmem>> -> memref<128xi32, #tpu.memory_space<vmem>>
    %dma_start3A_13 = arith.constant 0 : i32
    %dma_start3A_14 = arith.constant 0 : i32
    %dma_start3A_15 = tpu.memref_slice %arg2[%dma_start3A_13, %dma_start3A_14] : memref<100000x64xf32, #tpu.memory_space<hbm>> -> memref<100000x64xf32, #tpu.memory_space<hbm>>
    tpu.enqueue_indirect_dma source(%dma_start3A_15 : memref<100000x64xf32, #tpu.memory_space<hbm>>) target(%arg7 : memref<128x64xf32, #tpu.memory_space<vmem>>) offsets(%dma_start3A_12 : memref<128xi32, #tpu.memory_space<vmem>>) semaphore(%arg11 : memref<!tpu.dma_semaphore, #tpu.memory_space<semaphore_mem>>)
    %dma_start3A_16 = arith.constant 2 : i32
    %dma_start3A_17 = arith.constant 0 : i32
    %dma_start3A_18 = tpu.memref_slice %arg5[%dma_start3A_16, %dma_start3A_17] : memref<52x128xi32, #tpu.memory_space<vmem>> -> memref<1x128xi32, #tpu.memory_space<vmem>>
    %dma_start3A_19 = tpu.memref_squeeze %dma_start3A_18 : memref<1x128xi32, #tpu.memory_space<vmem>> -> memref<128xi32, #tpu.memory_space<vmem>>
    %dma_start3A_20 = arith.constant 0 : i32
    %dma_start3A_21 = arith.constant 0 : i32
    %dma_start3A_22 = tpu.memref_slice %arg2[%dma_start3A_20, %dma_start3A_21] : memref<100000x64xf32, #tpu.memory_space<hbm>> -> memref<100000x64xf32, #tpu.memory_space<hbm>>
    tpu.enqueue_indirect_dma source(%dma_start3A_22 : memref<100000x64xf32, #tpu.memory_space<hbm>>) target(%arg8 : memref<128x64xf32, #tpu.memory_space<vmem>>) offsets(%dma_start3A_19 : memref<128xi32, #tpu.memory_space<vmem>>) semaphore(%arg12 : memref<!tpu.dma_semaphore, #tpu.memory_space<semaphore_mem>>)
    %scan3A = arith.constant 0 : i32
    %scan3A_23 = arith.constant 0 : i32
    %scan3A_24 = arith.constant 13 : i32
    %scan3A_25 = arith.addi %scan3A_23, %scan3A_24 : i32
    %scan3A_26 = arith.constant 1 : i32
    scf.for %scan3A_31 = %scan3A_23 to %scan3A_25 step %scan3A_26  : i32 {
      %mul3A_32 = arith.constant 4 : i32
      %mul3A_33 = arith.muli %mul3A_32, %scan3A_31 : i32
      %add3A_34 = arith.constant 0 : i32
      %add3A_35 = arith.addi %mul3A_33, %add3A_34 : i32
      %ge3A = arith.constant 1 : i32
      %ge3A_36 = arith.cmpi sge, %add3A_35, %ge3A : i32
      %convert_element_type3A = arith.extui %ge3A_36 : i1 to i32
      %cond3A = arith.constant 0 : i32
      %cond3A_37 = arith.cmpi ne, %convert_element_type3A, %cond3A : i32
      scf.if %cond3A_37 {
        %dma_wait3A_148 = arith.constant 0 : i32
        %dma_wait3A_149 = tpu.memref_slice %arg4[%mul3A_2, %dma_wait3A_148] : memref<212992x64xf32, #tpu.memory_space<hbm>> -> memref<128x64xf32, #tpu.memory_space<hbm>>
        %dma_wait3A_150 = arith.constant 0 : i32
        %dma_wait3A_151 = tpu.memref_slice %arg4[%mul3A_2, %dma_wait3A_150] : memref<212992x64xf32, #tpu.memory_space<hbm>> -> memref<128x64xf32, #tpu.memory_space<hbm>>
        tpu.wait_dma2 semaphore(%arg17 : memref<!tpu.dma_semaphore, #tpu.memory_space<semaphore_mem>>) src(%arg9 : memref<128x64xf32, #tpu.memory_space<vmem>>) dst(%dma_wait3A_151 : memref<128x64xf32, #tpu.memory_space<hbm>>)
      } else {
      }
      %add3A_38 = arith.constant 3 : i32
      %add3A_39 = arith.addi %add3A_35, %add3A_38 : i32
      %lt3A = arith.constant 52 : i32
      %lt3A_40 = arith.cmpi slt, %add3A_39, %lt3A : i32
      %convert_element_type3A_41 = arith.extui %lt3A_40 : i1 to i32
      %cond3A_42 = arith.constant 0 : i32
      %cond3A_43 = arith.cmpi ne, %convert_element_type3A_41, %cond3A_42 : i32
      scf.if %cond3A_43 {
        %add3A_148 = arith.constant 3 : i32
        %add3A_149 = arith.addi %add3A_35, %add3A_148 : i32
        %dma_start3A_150 = arith.constant 0 : i32
        %dma_start3A_151 = tpu.memref_slice %arg5[%add3A_149, %dma_start3A_150] : memref<52x128xi32, #tpu.memory_space<vmem>> -> memref<1x128xi32, #tpu.memory_space<vmem>>
        %dma_start3A_152 = tpu.memref_squeeze %dma_start3A_151 : memref<1x128xi32, #tpu.memory_space<vmem>> -> memref<128xi32, #tpu.memory_space<vmem>>
        %dma_start3A_153 = arith.constant 0 : i32
        %dma_start3A_154 = arith.constant 0 : i32
        %dma_start3A_155 = tpu.memref_slice %arg2[%dma_start3A_153, %dma_start3A_154] : memref<100000x64xf32, #tpu.memory_space<hbm>> -> memref<100000x64xf32, #tpu.memory_space<hbm>>
        tpu.enqueue_indirect_dma source(%dma_start3A_155 : memref<100000x64xf32, #tpu.memory_space<hbm>>) target(%arg9 : memref<128x64xf32, #tpu.memory_space<vmem>>) offsets(%dma_start3A_152 : memref<128xi32, #tpu.memory_space<vmem>>) semaphore(%arg13 : memref<!tpu.dma_semaphore, #tpu.memory_space<semaphore_mem>>)
      } else {
      }
      %dma_wait3A_44 = arith.constant 0 : i32
      %dma_wait3A_45 = arith.constant 0 : i32
      %dma_wait3A_46 = tpu.memref_slice %arg5[%dma_wait3A_44, %dma_wait3A_45] : memref<52x128xi32, #tpu.memory_space<vmem>> -> memref<1x128xi32, #tpu.memory_space<vmem>>
      %dma_wait3A_47 = tpu.memref_squeeze %dma_wait3A_46 : memref<1x128xi32, #tpu.memory_space<vmem>> -> memref<128xi32, #tpu.memory_space<vmem>>
      %dma_wait3A_48 = arith.constant 0 : i32
      %dma_wait3A_49 = arith.constant 0 : i32
      %dma_wait3A_50 = tpu.memref_slice %arg2[%dma_wait3A_48, %dma_wait3A_49] : memref<100000x64xf32, #tpu.memory_space<hbm>> -> memref<100000x64xf32, #tpu.memory_space<hbm>>
      tpu.wait_indirect_dma semaphore(%arg10 : memref<!tpu.dma_semaphore, #tpu.memory_space<semaphore_mem>>) src(%dma_wait3A_50 : memref<100000x64xf32, #tpu.memory_space<hbm>>) dst(%arg6 : memref<128x64xf32, #tpu.memory_space<vmem>>)
      %mul3A_51 = arith.constant 128 : i32
      %mul3A_52 = arith.muli %add3A_35, %mul3A_51 : i32
      %add3A_53 = arith.addi %mul3A_2, %mul3A_52 : i32
      %dma_start3A_54 = arith.constant 0 : i32
      %dma_start3A_55 = tpu.memref_slice %arg4[%add3A_53, %dma_start3A_54] : memref<212992x64xf32, #tpu.memory_space<hbm>> -> memref<128x64xf32, #tpu.memory_space<hbm>>
      %dma_start3A_56 = arith.constant 0 : i32
      %dma_start3A_57 = tpu.memref_slice %arg4[%add3A_53, %dma_start3A_56] : memref<212992x64xf32, #tpu.memory_space<hbm>> -> memref<128x64xf32, #tpu.memory_space<hbm>>
      tpu.enqueue_dma source(%arg6 : memref<128x64xf32, #tpu.memory_space<vmem>>) target(%dma_start3A_57 : memref<128x64xf32, #tpu.memory_space<hbm>>) target_semaphore(%arg14 : memref<!tpu.dma_semaphore, #tpu.memory_space<semaphore_mem>>)
      %mul3A_58 = arith.constant 4 : i32
      %mul3A_59 = arith.muli %mul3A_58, %scan3A_31 : i32
      %add3A_60 = arith.constant 1 : i32
      %add3A_61 = arith.addi %mul3A_59, %add3A_60 : i32
      %ge3A_62 = arith.constant 1 : i32
      %ge3A_63 = arith.cmpi sge, %add3A_61, %ge3A_62 : i32
      %convert_element_type3A_64 = arith.extui %ge3A_63 : i1 to i32
      %cond3A_65 = arith.constant 0 : i32
      %cond3A_66 = arith.cmpi ne, %convert_element_type3A_64, %cond3A_65 : i32
      scf.if %cond3A_66 {
        %dma_wait3A_148 = arith.constant 0 : i32
        %dma_wait3A_149 = tpu.memref_slice %arg4[%mul3A_2, %dma_wait3A_148] : memref<212992x64xf32, #tpu.memory_space<hbm>> -> memref<128x64xf32, #tpu.memory_space<hbm>>
        %dma_wait3A_150 = arith.constant 0 : i32
        %dma_wait3A_151 = tpu.memref_slice %arg4[%mul3A_2, %dma_wait3A_150] : memref<212992x64xf32, #tpu.memory_space<hbm>> -> memref<128x64xf32, #tpu.memory_space<hbm>>
        tpu.wait_dma2 semaphore(%arg14 : memref<!tpu.dma_semaphore, #tpu.memory_space<semaphore_mem>>) src(%arg6 : memref<128x64xf32, #tpu.memory_space<vmem>>) dst(%dma_wait3A_151 : memref<128x64xf32, #tpu.memory_space<hbm>>)
      } else {
      }
      %add3A_67 = arith.constant 3 : i32
      %add3A_68 = arith.addi %add3A_61, %add3A_67 : i32
      %lt3A_69 = arith.constant 52 : i32
      %lt3A_70 = arith.cmpi slt, %add3A_68, %lt3A_69 : i32
      %convert_element_type3A_71 = arith.extui %lt3A_70 : i1 to i32
      %cond3A_72 = arith.constant 0 : i32
      %cond3A_73 = arith.cmpi ne, %convert_element_type3A_71, %cond3A_72 : i32
      scf.if %cond3A_73 {
        %add3A_148 = arith.constant 3 : i32
        %add3A_149 = arith.addi %add3A_61, %add3A_148 : i32
        %dma_start3A_150 = arith.constant 0 : i32
        %dma_start3A_151 = tpu.memref_slice %arg5[%add3A_149, %dma_start3A_150] : memref<52x128xi32, #tpu.memory_space<vmem>> -> memref<1x128xi32, #tpu.memory_space<vmem>>
        %dma_start3A_152 = tpu.memref_squeeze %dma_start3A_151 : memref<1x128xi32, #tpu.memory_space<vmem>> -> memref<128xi32, #tpu.memory_space<vmem>>
        %dma_start3A_153 = arith.constant 0 : i32
        %dma_start3A_154 = arith.constant 0 : i32
        %dma_start3A_155 = tpu.memref_slice %arg2[%dma_start3A_153, %dma_start3A_154] : memref<100000x64xf32, #tpu.memory_space<hbm>> -> memref<100000x64xf32, #tpu.memory_space<hbm>>
        tpu.enqueue_indirect_dma source(%dma_start3A_155 : memref<100000x64xf32, #tpu.memory_space<hbm>>) target(%arg6 : memref<128x64xf32, #tpu.memory_space<vmem>>) offsets(%dma_start3A_152 : memref<128xi32, #tpu.memory_space<vmem>>) semaphore(%arg10 : memref<!tpu.dma_semaphore, #tpu.memory_space<semaphore_mem>>)
      } else {
      }
      %dma_wait3A_74 = arith.constant 0 : i32
      %dma_wait3A_75 = arith.constant 0 : i32
      %dma_wait3A_76 = tpu.memref_slice %arg5[%dma_wait3A_74, %dma_wait3A_75] : memref<52x128xi32, #tpu.memory_space<vmem>> -> memref<1x128xi32, #tpu.memory_space<vmem>>
      %dma_wait3A_77 = tpu.memref_squeeze %dma_wait3A_76 : memref<1x128xi32, #tpu.memory_space<vmem>> -> memref<128xi32, #tpu.memory_space<vmem>>
      %dma_wait3A_78 = arith.constant 0 : i32
      %dma_wait3A_79 = arith.constant 0 : i32
      %dma_wait3A_80 = tpu.memref_slice %arg2[%dma_wait3A_78, %dma_wait3A_79] : memref<100000x64xf32, #tpu.memory_space<hbm>> -> memref<100000x64xf32, #tpu.memory_space<hbm>>
      tpu.wait_indirect_dma semaphore(%arg11 : memref<!tpu.dma_semaphore, #tpu.memory_space<semaphore_mem>>) src(%dma_wait3A_80 : memref<100000x64xf32, #tpu.memory_space<hbm>>) dst(%arg7 : memref<128x64xf32, #tpu.memory_space<vmem>>)
      %mul3A_81 = arith.constant 128 : i32
      %mul3A_82 = arith.muli %add3A_61, %mul3A_81 : i32
      %add3A_83 = arith.addi %mul3A_2, %mul3A_82 : i32
      %dma_start3A_84 = arith.constant 0 : i32
      %dma_start3A_85 = tpu.memref_slice %arg4[%add3A_83, %dma_start3A_84] : memref<212992x64xf32, #tpu.memory_space<hbm>> -> memref<128x64xf32, #tpu.memory_space<hbm>>
      %dma_start3A_86 = arith.constant 0 : i32
      %dma_start3A_87 = tpu.memref_slice %arg4[%add3A_83, %dma_start3A_86] : memref<212992x64xf32, #tpu.memory_space<hbm>> -> memref<128x64xf32, #tpu.memory_space<hbm>>
      tpu.enqueue_dma source(%arg7 : memref<128x64xf32, #tpu.memory_space<vmem>>) target(%dma_start3A_87 : memref<128x64xf32, #tpu.memory_space<hbm>>) target_semaphore(%arg15 : memref<!tpu.dma_semaphore, #tpu.memory_space<semaphore_mem>>)
      %mul3A_88 = arith.constant 4 : i32
      %mul3A_89 = arith.muli %mul3A_88, %scan3A_31 : i32
      %add3A_90 = arith.constant 2 : i32
      %add3A_91 = arith.addi %mul3A_89, %add3A_90 : i32
      %ge3A_92 = arith.constant 1 : i32
      %ge3A_93 = arith.cmpi sge, %add3A_91, %ge3A_92 : i32
      %convert_element_type3A_94 = arith.extui %ge3A_93 : i1 to i32
      %cond3A_95 = arith.constant 0 : i32
      %cond3A_96 = arith.cmpi ne, %convert_element_type3A_94, %cond3A_95 : i32
      scf.if %cond3A_96 {
        %dma_wait3A_148 = arith.constant 0 : i32
        %dma_wait3A_149 = tpu.memref_slice %arg4[%mul3A_2, %dma_wait3A_148] : memref<212992x64xf32, #tpu.memory_space<hbm>> -> memref<128x64xf32, #tpu.memory_space<hbm>>
        %dma_wait3A_150 = arith.constant 0 : i32
        %dma_wait3A_151 = tpu.memref_slice %arg4[%mul3A_2, %dma_wait3A_150] : memref<212992x64xf32, #tpu.memory_space<hbm>> -> memref<128x64xf32, #tpu.memory_space<hbm>>
        tpu.wait_dma2 semaphore(%arg15 : memref<!tpu.dma_semaphore, #tpu.memory_space<semaphore_mem>>) src(%arg7 : memref<128x64xf32, #tpu.memory_space<vmem>>) dst(%dma_wait3A_151 : memref<128x64xf32, #tpu.memory_space<hbm>>)
      } else {
      }
      %add3A_97 = arith.constant 3 : i32
      %add3A_98 = arith.addi %add3A_91, %add3A_97 : i32
      %lt3A_99 = arith.constant 52 : i32
      %lt3A_100 = arith.cmpi slt, %add3A_98, %lt3A_99 : i32
      %convert_element_type3A_101 = arith.extui %lt3A_100 : i1 to i32
      %cond3A_102 = arith.constant 0 : i32
      %cond3A_103 = arith.cmpi ne, %convert_element_type3A_101, %cond3A_102 : i32
      scf.if %cond3A_103 {
        %add3A_148 = arith.constant 3 : i32
        %add3A_149 = arith.addi %add3A_91, %add3A_148 : i32
        %dma_start3A_150 = arith.constant 0 : i32
        %dma_start3A_151 = tpu.memref_slice %arg5[%add3A_149, %dma_start3A_150] : memref<52x128xi32, #tpu.memory_space<vmem>> -> memref<1x128xi32, #tpu.memory_space<vmem>>
        %dma_start3A_152 = tpu.memref_squeeze %dma_start3A_151 : memref<1x128xi32, #tpu.memory_space<vmem>> -> memref<128xi32, #tpu.memory_space<vmem>>
        %dma_start3A_153 = arith.constant 0 : i32
        %dma_start3A_154 = arith.constant 0 : i32
        %dma_start3A_155 = tpu.memref_slice %arg2[%dma_start3A_153, %dma_start3A_154] : memref<100000x64xf32, #tpu.memory_space<hbm>> -> memref<100000x64xf32, #tpu.memory_space<hbm>>
        tpu.enqueue_indirect_dma source(%dma_start3A_155 : memref<100000x64xf32, #tpu.memory_space<hbm>>) target(%arg7 : memref<128x64xf32, #tpu.memory_space<vmem>>) offsets(%dma_start3A_152 : memref<128xi32, #tpu.memory_space<vmem>>) semaphore(%arg11 : memref<!tpu.dma_semaphore, #tpu.memory_space<semaphore_mem>>)
      } else {
      }
      %dma_wait3A_104 = arith.constant 0 : i32
      %dma_wait3A_105 = arith.constant 0 : i32
      %dma_wait3A_106 = tpu.memref_slice %arg5[%dma_wait3A_104, %dma_wait3A_105] : memref<52x128xi32, #tpu.memory_space<vmem>> -> memref<1x128xi32, #tpu.memory_space<vmem>>
      %dma_wait3A_107 = tpu.memref_squeeze %dma_wait3A_106 : memref<1x128xi32, #tpu.memory_space<vmem>> -> memref<128xi32, #tpu.memory_space<vmem>>
      %dma_wait3A_108 = arith.constant 0 : i32
      %dma_wait3A_109 = arith.constant 0 : i32
      %dma_wait3A_110 = tpu.memref_slice %arg2[%dma_wait3A_108, %dma_wait3A_109] : memref<100000x64xf32, #tpu.memory_space<hbm>> -> memref<100000x64xf32, #tpu.memory_space<hbm>>
      tpu.wait_indirect_dma semaphore(%arg12 : memref<!tpu.dma_semaphore, #tpu.memory_space<semaphore_mem>>) src(%dma_wait3A_110 : memref<100000x64xf32, #tpu.memory_space<hbm>>) dst(%arg8 : memref<128x64xf32, #tpu.memory_space<vmem>>)
      %mul3A_111 = arith.constant 128 : i32
      %mul3A_112 = arith.muli %add3A_91, %mul3A_111 : i32
      %add3A_113 = arith.addi %mul3A_2, %mul3A_112 : i32
      %dma_start3A_114 = arith.constant 0 : i32
      %dma_start3A_115 = tpu.memref_slice %arg4[%add3A_113, %dma_start3A_114] : memref<212992x64xf32, #tpu.memory_space<hbm>> -> memref<128x64xf32, #tpu.memory_space<hbm>>
      %dma_start3A_116 = arith.constant 0 : i32
      %dma_start3A_117 = tpu.memref_slice %arg4[%add3A_113, %dma_start3A_116] : memref<212992x64xf32, #tpu.memory_space<hbm>> -> memref<128x64xf32, #tpu.memory_space<hbm>>
      tpu.enqueue_dma source(%arg8 : memref<128x64xf32, #tpu.memory_space<vmem>>) target(%dma_start3A_117 : memref<128x64xf32, #tpu.memory_space<hbm>>) target_semaphore(%arg16 : memref<!tpu.dma_semaphore, #tpu.memory_space<semaphore_mem>>)
      %mul3A_118 = arith.constant 4 : i32
      %mul3A_119 = arith.muli %mul3A_118, %scan3A_31 : i32
      %add3A_120 = arith.constant 3 : i32
      %add3A_121 = arith.addi %mul3A_119, %add3A_120 : i32
      %ge3A_122 = arith.constant 1 : i32
      %ge3A_123 = arith.cmpi sge, %add3A_121, %ge3A_122 : i32
      %convert_element_type3A_124 = arith.extui %ge3A_123 : i1 to i32
      %cond3A_125 = arith.constant 0 : i32
      %cond3A_126 = arith.cmpi ne, %convert_element_type3A_124, %cond3A_125 : i32
      scf.if %cond3A_126 {
        %dma_wait3A_148 = arith.constant 0 : i32
        %dma_wait3A_149 = tpu.memref_slice %arg4[%mul3A_2, %dma_wait3A_148] : memref<212992x64xf32, #tpu.memory_space<hbm>> -> memref<128x64xf32, #tpu.memory_space<hbm>>
        %dma_wait3A_150 = arith.constant 0 : i32
        %dma_wait3A_151 = tpu.memref_slice %arg4[%mul3A_2, %dma_wait3A_150] : memref<212992x64xf32, #tpu.memory_space<hbm>> -> memref<128x64xf32, #tpu.memory_space<hbm>>
        tpu.wait_dma2 semaphore(%arg16 : memref<!tpu.dma_semaphore, #tpu.memory_space<semaphore_mem>>) src(%arg8 : memref<128x64xf32, #tpu.memory_space<vmem>>) dst(%dma_wait3A_151 : memref<128x64xf32, #tpu.memory_space<hbm>>)
      } else {
      }
      %add3A_127 = arith.constant 3 : i32
      %add3A_128 = arith.addi %add3A_121, %add3A_127 : i32
      %lt3A_129 = arith.constant 52 : i32
      %lt3A_130 = arith.cmpi slt, %add3A_128, %lt3A_129 : i32
      %convert_element_type3A_131 = arith.extui %lt3A_130 : i1 to i32
      %cond3A_132 = arith.constant 0 : i32
      %cond3A_133 = arith.cmpi ne, %convert_element_type3A_131, %cond3A_132 : i32
      scf.if %cond3A_133 {
        %add3A_148 = arith.constant 3 : i32
        %add3A_149 = arith.addi %add3A_121, %add3A_148 : i32
        %dma_start3A_150 = arith.constant 0 : i32
        %dma_start3A_151 = tpu.memref_slice %arg5[%add3A_149, %dma_start3A_150] : memref<52x128xi32, #tpu.memory_space<vmem>> -> memref<1x128xi32, #tpu.memory_space<vmem>>
        %dma_start3A_152 = tpu.memref_squeeze %dma_start3A_151 : memref<1x128xi32, #tpu.memory_space<vmem>> -> memref<128xi32, #tpu.memory_space<vmem>>
        %dma_start3A_153 = arith.constant 0 : i32
        %dma_start3A_154 = arith.constant 0 : i32
        %dma_start3A_155 = tpu.memref_slice %arg2[%dma_start3A_153, %dma_start3A_154] : memref<100000x64xf32, #tpu.memory_space<hbm>> -> memref<100000x64xf32, #tpu.memory_space<hbm>>
        tpu.enqueue_indirect_dma source(%dma_start3A_155 : memref<100000x64xf32, #tpu.memory_space<hbm>>) target(%arg8 : memref<128x64xf32, #tpu.memory_space<vmem>>) offsets(%dma_start3A_152 : memref<128xi32, #tpu.memory_space<vmem>>) semaphore(%arg12 : memref<!tpu.dma_semaphore, #tpu.memory_space<semaphore_mem>>)
      } else {
      }
      %dma_wait3A_134 = arith.constant 0 : i32
      %dma_wait3A_135 = arith.constant 0 : i32
      %dma_wait3A_136 = tpu.memref_slice %arg5[%dma_wait3A_134, %dma_wait3A_135] : memref<52x128xi32, #tpu.memory_space<vmem>> -> memref<1x128xi32, #tpu.memory_space<vmem>>
      %dma_wait3A_137 = tpu.memref_squeeze %dma_wait3A_136 : memref<1x128xi32, #tpu.memory_space<vmem>> -> memref<128xi32, #tpu.memory_space<vmem>>
      %dma_wait3A_138 = arith.constant 0 : i32
      %dma_wait3A_139 = arith.constant 0 : i32
      %dma_wait3A_140 = tpu.memref_slice %arg2[%dma_wait3A_138, %dma_wait3A_139] : memref<100000x64xf32, #tpu.memory_space<hbm>> -> memref<100000x64xf32, #tpu.memory_space<hbm>>
      tpu.wait_indirect_dma semaphore(%arg13 : memref<!tpu.dma_semaphore, #tpu.memory_space<semaphore_mem>>) src(%dma_wait3A_140 : memref<100000x64xf32, #tpu.memory_space<hbm>>) dst(%arg9 : memref<128x64xf32, #tpu.memory_space<vmem>>)
      %mul3A_141 = arith.constant 128 : i32
      %mul3A_142 = arith.muli %add3A_121, %mul3A_141 : i32
      %add3A_143 = arith.addi %mul3A_2, %mul3A_142 : i32
      %dma_start3A_144 = arith.constant 0 : i32
      %dma_start3A_145 = tpu.memref_slice %arg4[%add3A_143, %dma_start3A_144] : memref<212992x64xf32, #tpu.memory_space<hbm>> -> memref<128x64xf32, #tpu.memory_space<hbm>>
      %dma_start3A_146 = arith.constant 0 : i32
      %dma_start3A_147 = tpu.memref_slice %arg4[%add3A_143, %dma_start3A_146] : memref<212992x64xf32, #tpu.memory_space<hbm>> -> memref<128x64xf32, #tpu.memory_space<hbm>>
      tpu.enqueue_dma source(%arg9 : memref<128x64xf32, #tpu.memory_space<vmem>>) target(%dma_start3A_147 : memref<128x64xf32, #tpu.memory_space<hbm>>) target_semaphore(%arg17 : memref<!tpu.dma_semaphore, #tpu.memory_space<semaphore_mem>>)
    }
    %scan3A_27 = arith.constant 13 : i32
    %dma_wait3A = arith.constant 0 : i32
    %dma_wait3A_28 = tpu.memref_slice %arg4[%mul3A_2, %dma_wait3A] : memref<212992x64xf32, #tpu.memory_space<hbm>> -> memref<128x64xf32, #tpu.memory_space<hbm>>
    %dma_wait3A_29 = arith.constant 0 : i32
    %dma_wait3A_30 = tpu.memref_slice %arg4[%mul3A_2, %dma_wait3A_29] : memref<212992x64xf32, #tpu.memory_space<hbm>> -> memref<128x64xf32, #tpu.memory_space<hbm>>
    tpu.wait_dma2 semaphore(%arg17 : memref<!tpu.dma_semaphore, #tpu.memory_space<semaphore_mem>>) src(%arg9 : memref<128x64xf32, #tpu.memory_space<vmem>>) dst(%dma_wait3A_30 : memref<128x64xf32, #tpu.memory_space<hbm>>)
    return
  }
}

module attributes {stable_mosaic.version = 14 : i64} {
  func.func @_mlp_body(%arg0: i32, %arg1: memref<2000x32xf32, #tpu.memory_space<vmem>>, %arg2: memref<2000x32xf32, #tpu.memory_space<vmem>>, %arg3: memref<32x32xf32, #tpu.memory_space<vmem>>, %arg4: memref<1x32xf32, #tpu.memory_space<vmem>>, %arg5: memref<32x64xf32, #tpu.memory_space<vmem>>, %arg6: memref<1x64xf32, #tpu.memory_space<vmem>>, %arg7: memref<2000x128xf32, #tpu.memory_space<vmem>>) attributes {dimension_semantics = [#tpu.dimension_semantics<arbitrary>], iteration_bounds = array<i64: 25>, scalar_prefetch = 0 : i64, scratch_operands = 0 : i64, tpu.core_type = #tpu.core_type<tc>, window_params = [{transform_indices = @transform_0, window_bounds = array<i64: 2000, 32>}, {transform_indices = @transform_1, window_bounds = array<i64: 2000, 32>}, {pipeline_mode = #tpu.pipeline_mode<synchronous>, transform_indices = @transform_2, window_bounds = array<i64: 32, 32>}, {pipeline_mode = #tpu.pipeline_mode<synchronous>, transform_indices = @transform_3, window_bounds = array<i64: 1, 32>}, {pipeline_mode = #tpu.pipeline_mode<synchronous>, transform_indices = @transform_4, window_bounds = array<i64: 32, 64>}, {pipeline_mode = #tpu.pipeline_mode<synchronous>, transform_indices = @transform_5, window_bounds = array<i64: 1, 64>}, {transform_indices = @transform_6, window_bounds = array<i64: 2000, 128>}]} {
    %get3A = arith.constant 0 : index
    %get3A_0 = arith.constant 0 : index
    %get3A_1 = vector.load %arg3[%get3A, %get3A_0] : memref<32x32xf32, #tpu.memory_space<vmem>>, vector<32x32xf32>
    %get3A_2 = arith.constant 0 : index
    %get3A_3 = arith.constant 0 : index
    %get3A_4 = vector.load %arg4[%get3A_2, %get3A_3] : memref<1x32xf32, #tpu.memory_space<vmem>>, vector<1x32xf32>
    %get3A_5 = arith.constant 0 : index
    %get3A_6 = arith.constant 0 : index
    %get3A_7 = vector.load %arg5[%get3A_5, %get3A_6] : memref<32x64xf32, #tpu.memory_space<vmem>>, vector<32x64xf32>
    %get3A_8 = arith.constant 0 : index
    %get3A_9 = arith.constant 0 : index
    %get3A_10 = vector.load %arg6[%get3A_8, %get3A_9] : memref<1x64xf32, #tpu.memory_space<vmem>>, vector<1x64xf32>
    %get3A_11 = arith.constant 0 : index
    %get3A_12 = arith.constant 0 : index
    %get3A_13 = vector.load %arg1[%get3A_11, %get3A_12] : memref<2000x32xf32, #tpu.memory_space<vmem>>, vector<2000x32xf32>
    %dot_general3A = arith.constant dense<0.000000e+00> : vector<2000x32xf32>
    %dot_general3A_14 = tpu.matmul %get3A_13, %get3A_1, %dot_general3A {dimension_numbers = #tpu.dot_dimension_numbers<[1], [0], [0], [1], [0, 0, 1, 1], [], []>, transpose_lhs_hint = false} : vector<2000x32xf32>, vector<32x32xf32>, vector<2000x32xf32> -> vector<2000x32xf32>
    %add3A = vector.broadcast %get3A_4 : vector<1x32xf32> to vector<2000x32xf32>
    %add3A_15 = arith.addf %dot_general3A_14, %add3A : vector<2000x32xf32>
    %max3A = arith.constant 0.000000e+00 : f32
    %max3A_16 = vector.broadcast %max3A : f32 to vector<2000x32xf32>
    %max3A_17 = arith.maximumf %add3A_15, %max3A_16 : vector<2000x32xf32>
    %dot_general3A_18 = arith.constant dense<0.000000e+00> : vector<2000x64xf32>
    %dot_general3A_19 = tpu.matmul %max3A_17, %get3A_7, %dot_general3A_18 {dimension_numbers = #tpu.dot_dimension_numbers<[1], [0], [0], [1], [0, 0, 1, 1], [], []>, transpose_lhs_hint = false} : vector<2000x32xf32>, vector<32x64xf32>, vector<2000x64xf32> -> vector<2000x64xf32>
    %add3A_20 = vector.broadcast %get3A_10 : vector<1x64xf32> to vector<2000x64xf32>
    %add3A_21 = arith.addf %dot_general3A_19, %add3A_20 : vector<2000x64xf32>
    %max3A_22 = arith.constant 0.000000e+00 : f32
    %max3A_23 = vector.broadcast %max3A_22 : f32 to vector<2000x64xf32>
    %max3A_24 = arith.maximumf %add3A_21, %max3A_23 : vector<2000x64xf32>
    %swap3A = arith.constant 0 : index
    %swap3A_25 = arith.constant 0 : index
    %swap3A_26 = vector.load %arg7[%swap3A, %swap3A_25] : memref<2000x128xf32, #tpu.memory_space<vmem>>, vector<2000x64xf32>
    tpu.vector_store %arg7[%swap3A, %swap3A_25], %max3A_24 {strides = array<i32>} : memref<2000x128xf32, #tpu.memory_space<vmem>>, vector<2000x64xf32>,
    %get3A_27 = arith.constant 0 : index
    %get3A_28 = arith.constant 0 : index
    %get3A_29 = vector.load %arg2[%get3A_27, %get3A_28] : memref<2000x32xf32, #tpu.memory_space<vmem>>, vector<2000x32xf32>
    %dot_general3A_30 = arith.constant dense<0.000000e+00> : vector<2000x32xf32>
    %dot_general3A_31 = tpu.matmul %get3A_29, %get3A_1, %dot_general3A_30 {dimension_numbers = #tpu.dot_dimension_numbers<[1], [0], [0], [1], [0, 0, 1, 1], [], []>, transpose_lhs_hint = false} : vector<2000x32xf32>, vector<32x32xf32>, vector<2000x32xf32> -> vector<2000x32xf32>
    %add3A_32 = vector.broadcast %get3A_4 : vector<1x32xf32> to vector<2000x32xf32>
    %add3A_33 = arith.addf %dot_general3A_31, %add3A_32 : vector<2000x32xf32>
    %max3A_34 = arith.constant 0.000000e+00 : f32
    %max3A_35 = vector.broadcast %max3A_34 : f32 to vector<2000x32xf32>
    %max3A_36 = arith.maximumf %add3A_33, %max3A_35 : vector<2000x32xf32>
    %dot_general3A_37 = arith.constant dense<0.000000e+00> : vector<2000x64xf32>
    %dot_general3A_38 = tpu.matmul %max3A_36, %get3A_7, %dot_general3A_37 {dimension_numbers = #tpu.dot_dimension_numbers<[1], [0], [0], [1], [0, 0, 1, 1], [], []>, transpose_lhs_hint = false} : vector<2000x32xf32>, vector<32x64xf32>, vector<2000x64xf32> -> vector<2000x64xf32>
    %add3A_39 = vector.broadcast %get3A_10 : vector<1x64xf32> to vector<2000x64xf32>
    %add3A_40 = arith.addf %dot_general3A_38, %add3A_39 : vector<2000x64xf32>
    %max3A_41 = arith.constant 0.000000e+00 : f32
    %max3A_42 = vector.broadcast %max3A_41 : f32 to vector<2000x64xf32>
    %max3A_43 = arith.maximumf %add3A_40, %max3A_42 : vector<2000x64xf32>
    %swap3A_44 = arith.constant 0 : index
    %swap3A_45 = arith.constant 64 : index
    %swap3A_46 = vector.load %arg7[%swap3A_44, %swap3A_45] : memref<2000x128xf32, #tpu.memory_space<vmem>>, vector<2000x64xf32>
    tpu.vector_store %arg7[%swap3A_44, %swap3A_45], %max3A_43 {strides = array<i32>} : memref<2000x128xf32, #tpu.memory_space<vmem>>, vector<2000x64xf32>,
    return
  }
  func.func @transform_0(%arg0: i32) -> (i32, i32) {
    %c0_i32 = arith.constant 0 : i32
    %c0_i32_0 = arith.constant 0 : i32
    return %arg0, %c0_i32 : i32, i32
  }
  func.func @transform_1(%arg0: i32) -> (i32, i32) {
    %add3A = arith.constant 25 : i32
    %add3A_0 = arith.addi %arg0, %add3A : i32
    %c0_i32 = arith.constant 0 : i32
    %c0_i32_1 = arith.constant 0 : i32
    return %add3A_0, %c0_i32 : i32, i32
  }
  func.func @transform_2(%arg0: i32) -> (i32, i32) {
    %c0_i32 = arith.constant 0 : i32
    %c0_i32_0 = arith.constant 0 : i32
    %c0_i32_1 = arith.constant 0 : i32
    return %c0_i32, %c0_i32_0 : i32, i32
  }
  func.func @transform_3(%arg0: i32) -> (i32, i32) {
    %c0_i32 = arith.constant 0 : i32
    %c0_i32_0 = arith.constant 0 : i32
    %c0_i32_1 = arith.constant 0 : i32
    return %c0_i32, %c0_i32_0 : i32, i32
  }
  func.func @transform_4(%arg0: i32) -> (i32, i32) {
    %c0_i32 = arith.constant 0 : i32
    %c0_i32_0 = arith.constant 0 : i32
    %c0_i32_1 = arith.constant 0 : i32
    return %c0_i32, %c0_i32_0 : i32, i32
  }
  func.func @transform_5(%arg0: i32) -> (i32, i32) {
    %c0_i32 = arith.constant 0 : i32
    %c0_i32_0 = arith.constant 0 : i32
    %c0_i32_1 = arith.constant 0 : i32
    return %c0_i32, %c0_i32_0 : i32, i32
  }
  func.func @transform_6(%arg0: i32) -> (i32, i32) {
    %c0_i32 = arith.constant 0 : i32
    %c0_i32_0 = arith.constant 0 : i32
    return %arg0, %c0_i32 : i32, i32
  }
}

module attributes {stable_mosaic.version = 14 : i64} {
  func.func @_relayout_slice_body(%arg0: i32, %arg1: memref<32x104x128xf32, #tpu.memory_space<vmem>>, %arg2: memref<256x1664xf32, #tpu.memory_space<vmem>>) attributes {dimension_semantics = [#tpu.dimension_semantics<arbitrary>], iteration_bounds = array<i64: 32>, scalar_prefetch = 0 : i64, scratch_operands = 0 : i64, tpu.core_type = #tpu.core_type<tc>, window_params = [{transform_indices = @transform_0, window_bounds = array<i64: 32, 104, 128>}, {transform_indices = @transform_1, window_bounds = array<i64: 256, 1664>}]} {
    %get3A = arith.constant 0 : index
    %get3A_0 = arith.constant 0 : index
    %get3A_1 = arith.constant 0 : index
    %get3A_2 = vector.load %arg1[%get3A, %get3A_0, %get3A_1] : memref<32x104x128xf32, #tpu.memory_space<vmem>>, vector<32x104x128xf32>
    %reshape3A = vector.shape_cast %get3A_2 : vector<32x104x128xf32> to vector<256x1664xf32>
    %swap3A = arith.constant 0 : index
    %swap3A_3 = arith.constant 0 : index
    %swap3A_4 = vector.load %arg2[%swap3A, %swap3A_3] : memref<256x1664xf32, #tpu.memory_space<vmem>>, vector<256x1664xf32>
    tpu.vector_store %arg2[%swap3A, %swap3A_3], %reshape3A {strides = array<i32>} : memref<256x1664xf32, #tpu.memory_space<vmem>>, vector<256x1664xf32>,
    return
  }
  func.func @transform_0(%arg0: i32) -> (i32, i32, i32) {
    %c0_i32 = arith.constant 0 : i32
    %c0_i32_0 = arith.constant 0 : i32
    %c0_i32_1 = arith.constant 0 : i32
    return %arg0, %c0_i32, %c0_i32_0 : i32, i32, i32
  }
  func.func @transform_1(%arg0: i32) -> (i32, i32) {
    %add3A = arith.constant 0 : i32
    %add3A_0 = arith.addi %arg0, %add3A : i32
    %c0_i32 = arith.constant 0 : i32
    %c0_i32_1 = arith.constant 0 : i32
    return %add3A_0, %c0_i32 : i32, i32
  }
}

module attributes {stable_mosaic.version = 14 : i64} {
  func.func @_relayout_slice_buf_body(%arg0: i32, %arg1: memref<32x104x128xf32, #tpu.memory_space<vmem>>, %arg2: memref<16384x1664xf32, #tpu.memory_space<any>>, %arg3: memref<256x1664xf32, #tpu.memory_space<vmem>>) attributes {dimension_semantics = [#tpu.dimension_semantics<arbitrary>], iteration_bounds = array<i64: 32>, scalar_prefetch = 0 : i64, scratch_operands = 0 : i64, tpu.core_type = #tpu.core_type<tc>, window_params = [{transform_indices = @transform_0, window_bounds = array<i64: 32, 104, 128>}, {}, {transform_indices = @transform_2, window_bounds = array<i64: 256, 1664>}]} {
    %get3A = arith.constant 0 : index
    %get3A_0 = arith.constant 0 : index
    %get3A_1 = arith.constant 0 : index
    %get3A_2 = vector.load %arg1[%get3A, %get3A_0, %get3A_1] : memref<32x104x128xf32, #tpu.memory_space<vmem>>, vector<32x104x128xf32>
    %reshape3A = vector.shape_cast %get3A_2 : vector<32x104x128xf32> to vector<256x1664xf32>
    %swap3A = arith.constant 0 : index
    %swap3A_3 = arith.constant 0 : index
    %swap3A_4 = vector.load %arg3[%swap3A, %swap3A_3] : memref<256x1664xf32, #tpu.memory_space<vmem>>, vector<256x1664xf32>
    tpu.vector_store %arg3[%swap3A, %swap3A_3], %reshape3A {strides = array<i32>} : memref<256x1664xf32, #tpu.memory_space<vmem>>, vector<256x1664xf32>,
    return
  }
  func.func @transform_0(%arg0: i32) -> (i32, i32, i32) {
    %c0_i32 = arith.constant 0 : i32
    %c0_i32_0 = arith.constant 0 : i32
    %c0_i32_1 = arith.constant 0 : i32
    return %arg0, %c0_i32, %c0_i32_0 : i32, i32, i32
  }
  func.func @transform_2(%arg0: i32) -> (i32, i32) {
    %add3A = arith.constant 32 : i32
    %add3A_0 = arith.addi %arg0, %add3A : i32
    %c0_i32 = arith.constant 0 : i32
    %c0_i32_1 = arith.constant 0 : i32
    return %add3A_0, %c0_i32 : i32, i32
  }
}

</mosaic_0001>

<sc_bundles>
// kernel: kernel.10.cloned.1.call-start
scs
__scs_entry_jumppad:
0x0: {  	(pc) =	sbr.rel $0x88, $3  }
0x1: {  	(tag) =	ssettag $0x0;
	lr =	simm.s32 $0x1  }
0x2: {  	[smem:$0x3F9B] =	sst lr;
	_ =	strace $0xD0000000  }
0x3: {  	_ = 	snop  }
0x4: {  	_ = 	snop  }
0x5: {  	_ = 	snop  }
0x6: {  	_ = 	snop  }
0x7: {  	_ = 	snop  }
__scs_overlays_trampoline_lowered:
0x8: {  	[smem:$0x3FAA] =	sst s0  }
0x9: {  	[smem:$0x3FAB] =	sst s1  }
0xa: {  	[smem:$0x3FAC] =	sst s2  }
0xb: {  	[smem:$0x3FAD] =	sst s3  }
0xc: {  	[smem:$0x3FAE] =	sst s4  }
0xd: {  	[smem:$0x3FAF] =	sst s5  }
0xe: {  	[smem:$0x3FB0] =	sst s6  }
0xf: {  	[smem:$0x3FB1] =	sst s7  }
0x10: {  	[smem:$0x3FB2] =	sst s8  }
0x11: {  	[smem:$0x3FB3] =	sst s9;
	s0 =	simm.s32 @!p0 $0x0  }
0x12: {  	s1 =	sld [smem:$0x3F99];
	s0 =	simm.s32 @p0 $0x1  }
0x13: {  	[smem:$0x3FB4] =	sst s0;
	s0 =	simm.s32 @!p1 $0x0  }
0x14: {  	s2 =	sld [smem:$0x3F98];
	s0 =	simm.s32 @p1 $0x1  }
0x15: {  	[smem:$0x3FB5] =	sst s0;
	s0 =	simm.s32 @!p2 $0x0  }
0x16: {  	s3 =	sld [smem:$0x3FDB];
	s0 =	simm.s32 @p2 $0x1  }
0x17: {  	s4 =	simm.s32 $0x1BF5;
	[smem:$0x3FB7] =	sst s0  }
0x18: {  	s0 =	sld [smem:$0x3F9A];
	_ =	swait.ge [sflag:s4], $0x0  }
0x19: {  	s7 =	sld [smem:$0x3F9B]  }
0x1a: {  	s8 =	sadd.s32 $0xFFFFE003, lr  }
0x1b: {  	s9 =	sadd.s32 $0xFFFFFEF7, lr;
	s5 =	simm.s32 $0xFFFFFFFF;
	p2 =	slt.u32 s8, $0xFFFFF086  }
0x1c: {  	p1 =	slt.u32 s9, $0xF7A;
	s5 =	simm.s32 @!p2 $0x0  }
0x1d: {  	s5 =	simm.s32 @p1 $0x1;
	p0 =	seq.s32 s7, s2  }
0x1e: {  	s7 =	smul.u32 @!p0 $0xF7A, s2;
	p2 =	seq.s32 @!p0 s5, $0x0  }
0x1f: {  	s9 =	smul.u32 $0xF7A, s1;
	s8 =	simm.s32 @!p0 $0x1BF5;
	p2 =	por !p2, p0  }
0x20: {  	[sflag:s8] =	ssyncset.s32 @!p0 $0xFFFFF086;
	s6 =	sadd.s32 @!p0 s3, s7;
	s7 =	simm.s32 @!p0 $0x108  }
0x21: {  	s3 =	sadd.s32 s3, s9;
	s6 =	sadd.s32 @!p0 $0x88, s6;
	s7 =	simm.s32 @p2 $0x1082  }
0x22: {  	[simem:s7], [sflag:s8] =	dma.local @!p0 [hbm:s6], $0xF7A  }
0x23: {  	s9 =	sor.u32 $0xD0000000, s2;
	s6 =	simm.s32 $0x108;
	_ =	swait.ge @!p0 [sflag:s8], $0x0  }
0x24: {  	s3 =	sadd.s32 $0x88, s3;
	s6 =	simm.s32 @!p1 $0x1082;
	[sflag:s4] =	ssyncset.s32 $0xFFFFF086  }
0x25: {  	[simem:s6], [sflag:s4] =	dma.local [hbm:s3], $0xF7A  }
0x26: {  	[smem:$0x3F9B] =	sst s1;
	(tag) =	ssettag s2;
	_ =	strace s9  }
0x27: {  	s1 =	sld [smem:$0x3FAB]  }
0x28: {  	s2 =	sld [smem:$0x3FAC]  }
0x29: {  	s4 =	sld [smem:$0x3FAE]  }
0x2a: {  	p0 =	seq.s32 s5, $0x0;
	s5 =	sld [smem:$0x3FAF]  }
0x2b: {  	s6 =	sld [smem:$0x3FB0]  }
0x2c: {  	s7 =	sld [smem:$0x3FB1]  }
0x2d: {  	s3 =	simm.s32 $0x108;
	s8 =	sld [smem:$0x3FB2]  }
0x2e: {  	s3 =	simm.s32 @!p0 $0x1082;
	s9 =	sld [smem:$0x3FB3]  }
0x2f: {  	lr =	sadd.s32 s0, s3;
	s0 =	sld [smem:$0x3FAA]  }
0x30: {  	s3 =	sld [smem:$0x3FAD]  }
0x31: {  	[smem:$0x3FB6] =	sst s10  }
0x32: {  	s10 =	sld [smem:$0x3FB4];
	_ =	sdelay $0x3  }
0x33: {  	p0 =	seq.s32 s10, $0x1;
	s10 =	sld [smem:$0x3FB6];
	_ =	sdelay $0x3  }
0x34: {  	[smem:$0x3FB6] =	sst s10  }
0x35: {  	s10 =	sld [smem:$0x3FB5];
	_ =	sdelay $0x3  }
0x36: {  	p1 =	seq.s32 s10, $0x1;
	s10 =	sld [smem:$0x3FB6];
	_ =	sdelay $0x3  }
0x37: {  	[smem:$0x3FB6] =	sst s10  }
0x38: {  	s10 =	sld [smem:$0x3FB7]  }
0x39: {  	_ = 	snop;
	(pc) =	sbr.ind lr, $3  }
0x3a: {  	_ = 	snop  }
0x3b: {  	_ = 	snop  }
0x3c: {  	p2 =	seq.s32 s10, $0x1;
	s10 =	sld [smem:$0x3FB6]  }
0x3d: {  	_ =	shalt  }
0x3e: {  	_ =	shalt  }
0x3f: {  	_ =	shalt  }
0x40: {  	_ =	shalt  }
0x41: {  	_ =	shalt  }
0x42: {  	_ =	shalt  }
0x43: {  	_ =	shalt  }
0x44: {  	_ =	shalt  }
0x45: {  	_ =	shalt  }
0x46: {  	_ =	shalt  }
0x47: {  	_ =	shalt  }
0x48: {  	_ =	shalt  }
0x49: {  	_ =	shalt  }
0x4a: {  	_ =	shalt  }
0x4b: {  	_ =	shalt  }
0x4c: {  	_ =	shalt  }
0x4d: {  	_ =	shalt  }
0x4e: {  	_ =	shalt  }
0x4f: {  	_ =	shalt  }
0x50: {  	_ =	shalt  }
0x51: {  	_ =	shalt  }
0x52: {  	_ =	shalt  }
0x53: {  	_ =	shalt  }
0x54: {  	_ =	shalt  }
0x55: {  	_ =	shalt  }
0x56: {  	_ =	shalt  }
0x57: {  	_ =	shalt  }
0x58: {  	_ =	shalt  }
0x59: {  	_ =	shalt  }
0x5a: {  	_ =	shalt  }
0x5b: {  	_ =	shalt  }
0x5c: {  	_ =	shalt  }
0x5d: {  	_ =	shalt  }
0x5e: {  	_ =	shalt  }
0x5f: {  	_ =	shalt  }
0x60: {  	_ =	shalt  }
0x61: {  	_ =	shalt  }
0x62: {  	_ =	shalt  }
0x63: {  	_ =	shalt  }
0x64: {  	_ =	shalt  }
0x65: {  	_ =	shalt  }
0x66: {  	_ =	shalt  }
0x67: {  	_ =	shalt  }
0x68: {  	_ =	shalt  }
0x69: {  	_ =	shalt  }
0x6a: {  	_ =	shalt  }
0x6b: {  	_ =	shalt  }
0x6c: {  	_ =	shalt  }
0x6d: {  	_ =	shalt  }
0x6e: {  	_ =	shalt  }
0x6f: {  	_ =	shalt  }
0x70: {  	_ =	shalt  }
0x71: {  	_ =	shalt  }
0x72: {  	_ =	shalt  }
0x73: {  	_ =	shalt  }
0x74: {  	_ =	shalt  }
0x75: {  	_ =	shalt  }
0x76: {  	_ =	shalt  }
0x77: {  	_ =	shalt  }
0x78: {  	_ =	shalt  }
0x79: {  	_ =	shalt  }
0x7a: {  	_ =	shalt  }
0x7b: {  	_ =	shalt  }
0x7c: {  	_ =	shalt  }
0x7d: {  	_ =	shalt  }
0x7e: {  	_ =	shalt  }
0x7f: {  	_ =	shalt  }
0x80: {  	_ =	shalt  }
0x81: {  	_ =	shalt  }
0x82: {  	_ =	shalt  }
0x83: {  	_ =	shalt  }
0x84: {  	_ =	shalt  }
0x85: {  	_ =	shalt  }
0x86: {  	_ =	shalt  }
0x87: {  	_ =	shalt  }
.Lfunc_end0:
.L_simem_size_0:
called_computation.1_lowered:
.L_overlay_start_0:
0x88: {  	s2 =	sld [smem:$0x3FD9]  }
0x89: {  	s3 =	sld [smem:$0x3FFE];
	_ =	sdelay $0x1  }
0x8a: {  	s1 =	srdreg.scid  }
0x8b: {  	s0 =	sand.u32 $0x1, s1  }
0x8c: {  	s17 =	sshll.u32 s0, $0xA;
	s2 =	sadd.s32 s3, s2  }
0x8d: {  	s2 =	sadd.s32 s2, s17  }
0x8e: {  	[smem:$0x3FC2] =	sst s2  }
0x8f: {  	_ = 	snop  }
0x90: {  	(tm) =	ssettm $0x1  }
0x91: {  	s18 =	sld [smem:$0x3FFB];
	_ =	sdelay $0x3  }
0x92: {  	_ =	strace s18  }
0x93: {  	s2 =	sld [smem:$0x3FFC];
	_ =	sdelay $0x3  }
0x94: {  	_ =	strace s2  }
0x95: {  	s2 =	sld [smem:$0x3FFD];
	_ =	sdelay $0x3  }
0x96: {  	_ =	strace s2  }
0x97: {  	_ =	strace $0x8FFFFFFF  }
0x98: {  	s19 =	sld [smem:$0x3FDB];
	_ =	sdelay $0x1  }
0x99: {  	s20 =	simm.s32 $_scs_section_size  }
0x9a: {  	s4 =	simm.s32 $_size__tile_overlayer_lowered;
	s5 =	simm.s32 $_tile_overlayer_lowered  }
0x9b: {  	s6 =	simm.s32 $0x1BFF;
	s21 =	sshll.u32 s5, $0x1;
	s3 =	sadd.s32 s20, s19  }
0x9c: {  	s22 =	simm.s32 $0x0;
	s4 =	sshll.u32 s4, $0x1;
	s5 =	sadd.s32 s21, s3  }
0x9d: {  	[timem:s22], [sflag:s6] =	dma.local [hbm:s5], s4  }
0x9e: {  	_ =	swait.ge [sflag:s6], s4  }
0x9f: {  	s4 =	ssub.s32 $0x0, s4;
	[sflag:s6] =	ssyncset.done $0x0  }
0xa0: {  	[sflag:s6] =	ssyncadd.s32 s4;
	_ =	sdelay $0x1  }
0xa1: {  	s23 =	simm.s32 $0x1B8B  }
0xa2: {  	_ =	swait.ge [sflag:s23], $0x1  }
0xa3: {  	[sflag:s23] =	ssyncset.done $0x0  }
0xa4: {  	[sflag:s23] =	ssyncadd.s32 $0xFFFFFFFF  }
0xa5: {  	s4 =	sld [smem:$0x0]  }
0xa6: {  	s5 =	sand.u32 $0xFFFFFFFE, s1  }
0xa7: {  	p0 =	sne.s32 s1, s5  }
0xa8: {  	s5 =	sshll.u32 @p0 s5, $0xE  }
0xa9: {  	s5 =	sadd.s32 @p0 $0x11B8D, s5;
	s6 =	sshll.u32 @p0 s4, $0x11  }
0xaa: {  	s5 =	sor.u32 @p0 s6, s5  }
0xab: {  	[sflag:s5] =	ssyncadd.remote.s32 @p0 $0x1;
	_ =	sdelay $0x1  }
0xac: {  	s5 =	simm.s32 @p0 $0x1B8D  }
0xad: {  	_ =	swait.eq @p0 [sflag:s5], $0x1  }
0xae: {  	[sflag:s5] =	ssyncadd.s32 @p0 $0xFFFFFFFF  }
0xaf: {  	s6 =	sshll.u32 @!p0 s1, $0xE  }
0xb0: {  	s6 =	sor.u32 @!p0 $0x4000, s6;
	s5 =	simm.s32 @!p0 $0x1B8D  }
0xb1: {  	s4 =	sshll.u32 @!p0 s4, $0x11;
	s6 =	sadd.s32 @!p0 $0x11B8D, s6;
	_ =	swait.eq @!p0 [sflag:s5], $0x1  }
0xb2: {  	s4 =	sor.u32 @!p0 s4, s6;
	[sflag:s5] =	ssyncadd.s32 @!p0 $0xFFFFFFFF  }
0xb3: {  	s25 =	simm.s32 $0x1B8E;
	s24 =	sld [smem:$0x3FFE];
	[sflag:s4] =	ssyncadd.remote.s32 @!p0 $0x1  }
0xb4: {  	s26 =	simm.s32 $execute0_lowered;
	[smem:$0x3FD2] =	sst s25  }
0xb5: {  	s5 =	sshll.u32 s26, $0x1;
	_ =	strace $0x80000049;
	[dreg:$0x1] =	wrdreg $0xFFFFFFFF  }
0xb6: {  	s28 =	simm.s32 $_size_execute0_lowered;
	s3 =	sadd.s32 s3, s5;
	[dreg:$0x0] =	wrdreg $0x0  }
0xb7: {  	s5 =	sshll.u32 s28, $0x1;
	[dreg:$0x2] =	wrdreg s3  }
0xb8: {  	[dreg:$0x3] =	wrdreg s5  }
0xb9: {  	[dreg:$0x4] =	wrdreg $0xC0  }
0xba: {  	_ =	task [dreg:s22], $0x5FFFF  }
0xbb: {  	[dreg:$0x1] =	wrdreg $0xFFFFFFFF  }
0xbc: {  	[dreg:$0x0] =	wrdreg $0x60  }
0xbd: {  	[dreg:$0x2] =	wrdreg s24  }
0xbe: {  	[dreg:$0x3] =	wrdreg $0xA  }
0xbf: {  	_ =	task.clear_ibuf [dreg:s22], $0x4FFFF;
	_ =	strace $0x90000049  }
0xc0: {  	s29 =	simm.s32 $0xA;
	_ =	strace $0x8000004B  }
0xc1: {  	_ =	swait.ge [sflag:s29], $0x1  }
0xc2: {  	[sflag:s29] =	ssyncadd.s32 $0xFFFFFFFF  }
0xc3: {  	_ =	strace $0x9000004B  }
0xc4: {  	_ =	sfence  }
0xc5: {  	s30 =	sld [smem:$0x0];
	_ =	sdelay $0x2  }
0xc6: {  	s31 =	sshll.u32 s1, $0xD;
	s1 =	sshrl.u32 s1, $0x2  }
0xc7: {  	s4 =	sand.u32 $0x4000, s31;
	s1 =	sadd.s32 s1, s30  }
0xc8: {  	s0 =	sor.u32 s4, s0;
	s1 =	sshll.u32 s1, $0x11  }
0xc9: {  	s0 =	sor.u32 s1, s0  }
0xca: {  	s0 =	sadd.s32 $0x8F2B, s0  }
0xcb: {  	[sflag:s0] =	ssyncadd.remote.s32 $0x1  }
0xcc: {  	_ =	sfence.sel $0xFFFF  }
0xcd: {  	[dreg:$0x0] =	wrdreg $0xFFFFFFFF;
	(pc) =	sbr.abs _section_cstart, $3  }
0xce: {  	[dreg:$0x1] =	wrdreg $0xFFFFFFFF  }
0xcf: {  	_ =	task.clear_ibuf [dreg:s22], $0x2FFFF;
	_ =	strace $0x9FFFFFFF  }
0xd0: {  	(tm) =	ssettm $0x7FFFFFFF  }
0xd1: {  	_ =	shalt  }
tec
execute0_lowered:
.L_overlay_start_1:
0x0: {  	(tag) =	ssettag $0x1  }
0x1: {  	s0 =	srdreg.scid;
	s5 =	stileid.u32  }
0x2: {  	s1 =	rddreg [dreg:$0x0];
	s2 =	simm.s32 $0x0;
	s11 =	simm.s32 $0x80  }
0x3: {  	s12 =	simm.s32 $0x1A00;
	s13 =	simm.s32 $0x3A00;
	s15 =	simm.s32 $0x5A00  }
0x4: {  	s16 =	simm.s32 $0x7A00;
	s17 =	simm.s32 $0x1;
	s18 =	simm.s32 $0x5  }
0x5: {  	s19 =	simm.s32 $0x2;
	s20 =	simm.s32 $0x6;
	s21 =	simm.s32 $0x3  }
0x6: {  	s22 =	simm.s32 $0x7;
	s23 =	simm.s32 $0x4;
	s6 =	smul.u32 $0xD0000, s5  }
0x7: {  	s0 =	sand.u32 $0x1, s0;
	s3 =	sshll.u32 s5, $0x1;
	s5 =	smul.u32 $0x3400, s5  }
0x8: {  	s24 =	simm.s32 $0x8;
	s25 =	simm.s32 $0x0;
	s8 =	smul.u32 $0x1A00, s0  }
0x9: {  	s3 =	sor.u32 s0, s3;
	s7 =	ssub.s32 $0x2, s0;
	s0 =	smul.u32 $0x68000, s0  }
0xa: {  	[smem:$0x7FF] =	sst s2;
	s4 =	smul.u32 $0x1A00, s3;
	s9 =	sshrl.u32 s7, $0x1  }
0xb: {  	_ =	strace $0x8000004A;
	s3 =	sadd.s32 $0x7A00, s1;
	s7 =	ssub.s32 s7, s9  }
0xc: {  	s8 =	sadd.s32 s8, s5;
	s0 =	sadd.s32 s0, s6;
	s4 =	sshrl.u32 s4, $0x3  }
0xd: {  	s29 =	smax.u32 s7, $0x1;
	s30 =	sshll.u32 s8, $0x3;
	s31 =	sshrl.u32 s0, $0x3  }
0xe: {  	s0 =	sor.u32 $0x6000, s0;
	s4 =	sadd.s32 s4, s1;
	s1 =	sadd.s32 $0x271800, s1  }
0xf: {  	[dreg:$0x3] =	wrdreg s29;
	s0 =	sshrl.u32 s0, $0x3;
	s4 =	sadd.s32 $0x26B000, s4  }
0x10: {  	s8 =	sadd.s32 s30, s1;
	s6 =	sadd.s32 s31, s1;
	s0 =	sadd.s32 s0, s1  }
0x11: {  	[dreg:$0x2] =	wrdreg s4;
	s7 =	sadd.s32 $0x800, s8;
	s8 =	sadd.s32 $0x400, s8  }
.LBB2_1:
0x12: {  	s1 =	rddreg [dreg:$0x2];
	s10 =	simm.s32 $0x9  }
0x13: {  	[tilespmem:s2], [sflag:$0x9] =	stream.linear.gather [hbm4b:s1+s2], $0x1A00, $0x38;
	[tilespmem:$0x9A00] =	vst v63  }
0x14: {  	_ =	swait.ge [sflag:s10], $0x1A00  }
0x15: {  	[sflag:s10] =	ssyncset.done $0x0  }
0x16: {  	[sflag:s10] =	ssyncadd.s32 $0xFFFFE600  }
0x17: {  	[tilespmem:s12], [sflag:$0x1] =	stream.indirect.gather [hbm4b:s3+s11], $0x40, s2, s11, $0xb8;
	[tilespmem:$0x9A00] =	vst v63  }
0x18: {  	p0 =	por $0x1, $0x1  }
0x19: {  	[tilespmem:s13], [sflag:$0x2] =	stream.indirect.gather [hbm4b:s3+s11], $0x40, s11, s11, $0xb8;
	[tilespmem:$0x9A00] =	vst v63  }
0x1a: {  	s14 =	simm.s32 $0x100;
	s1 =	simm.s32 @!p0 $0x8  }
0x1b: {  	[tilespmem:s15], [sflag:$0x3] =	stream.indirect.gather [hbm4b:s3+s11], $0x40, s14, s11, $0xb8;
	[tilespmem:$0x9A00] =	vst v63  }
0x1c: {  	_ =	swait.ge @!p0 [sflag:s1], $0x2000  }
0x1d: {  	[sflag:s1] =	ssyncset.done @!p0 $0x0  }
0x1e: {  	s26 =	simm.s32 $0x180;
	[sflag:s1] =	ssyncadd.s32 @!p0 $0xFFFFE000  }
0x1f: {  	[tilespmem:s16], [sflag:$0x4] =	stream.indirect.gather [hbm4b:s3+s11], $0x40, s26, s11, $0xb8;
	[tilespmem:$0x9A00] =	vst v63  }
0x20: {  	_ =	swait.ge [sflag:s17], $0x2000  }
0x21: {  	[sflag:s17] =	ssyncset.done $0x0  }
0x22: {  	[sflag:s17] =	ssyncadd.s32 $0xFFFFE000  }
0x23: {  	[hbm4b:s6+s2] =	stream.linear.scatter [tilespmem:s12], [sflag:$0x5], $0x2000, $0x38;
	[tilespmem:$0x9A00] =	vst v63  }
0x24: {  	p0 =	por $0x0, $0x0;
	_ =	swait.ge [sflag:s18], $0x2000  }
0x25: {  	s1 =	simm.s32 @!p0 $0x1A00;
	[sflag:s18] =	ssyncset.done $0x0  }
0x26: {  	s9 =	simm.s32 @!p0 $0x200;
	s28 =	simm.s32 @!p0 $0x80;
	[sflag:s18] =	ssyncadd.s32 $0xFFFFE000  }
0x27: {  	[tilespmem:s1], [sflag:$0x1] =	stream.indirect.gather @!p0 [hbm4b:s3+s28], $0x40, s9, s28, $0xb8;
	[tilespmem:$0x9A00] =	vst v63  }
0x28: {  	_ =	swait.ge [sflag:s19], $0x2000  }
0x29: {  	[sflag:s19] =	ssyncset.done $0x0  }
0x2a: {  	[sflag:s19] =	ssyncadd.s32 $0xFFFFE000  }
0x2b: {  	[hbm4b:s8+s2] =	stream.linear.scatter [tilespmem:s13], [sflag:$0x6], $0x2000, $0x38;
	[tilespmem:$0x9A00] =	vst v63  }
0x2c: {  	_ =	swait.ge [sflag:s20], $0x2000  }
0x2d: {  	[sflag:s20] =	ssyncset.done $0x0  }
0x2e: {  	s1 =	simm.s32 @!p0 $0x280;
	s9 =	simm.s32 @!p0 $0x3A00;
	[sflag:s20] =	ssyncadd.s32 $0xFFFFE000  }
0x2f: {  	[tilespmem:s9], [sflag:$0x2] =	stream.indirect.gather @!p0 [hbm4b:s3+s28], $0x40, s1, s28, $0xb8;
	[tilespmem:$0x9A00] =	vst v63  }
0x30: {  	_ =	swait.ge [sflag:s21], $0x2000  }
0x31: {  	[sflag:s21] =	ssyncset.done $0x0  }
0x32: {  	[sflag:s21] =	ssyncadd.s32 $0xFFFFE000  }
0x33: {  	[hbm4b:s7+s2] =	stream.linear.scatter [tilespmem:s15], [sflag:$0x7], $0x2000, $0x38;
	[tilespmem:$0x9A00] =	vst v63  }
0x34: {  	s30 =	simm.s32 $0x800;
	p1 =	por $0x0, $0x0;
	_ =	swait.ge [sflag:s22], $0x2000  }
0x35: {  	s31 =	sadd.s32 $0x1000, s6;
	s29 =	simm.s32 @!p0 $0x5A00;
	[sflag:s22] =	ssyncset.done $0x0  }
0x36: {  	s26 =	sadd.s32 $0x1000, s0;
	s9 =	simm.s32 @!p0 $0x300;
	[sflag:s22] =	ssyncadd.s32 $0xFFFFE000  }
0x37: {  	[tilespmem:s29], [sflag:$0x3] =	stream.indirect.gather @!p0 [hbm4b:s3+s28], $0x40, s9, s28, $0xb8;
	[tilespmem:$0x9A00] =	vst v63  }
0x38: {  	s1 =	simm.s32 $0x1000;
	s28 =	sadd.s32 $0x1000, s7;
	_ =	swait.ge [sflag:s23], $0x2000  }
0x39: {  	s29 =	sadd.s32 $0x1000, s8;
	s9 =	smov.u32 s0;
	[sflag:s23] =	ssyncset.done $0x0  }
.LBB2_2:
0x3a: {  	s14 =	simm.s32 @!p1 $0x8  }
0x3b: {  	[sflag:s23] =	ssyncadd.s32 $0xFFFFE000;
	s4 =	smov.u32 s1;
	s1 =	sadd.s32 $0x800, s1  }
0x3c: {  	[hbm4b:s9+s2] =	stream.linear.scatter [tilespmem:s16], [sflag:$0x8], $0x2000, $0x38;
	[tilespmem:$0x9A00] =	vst v63  }
0x3d: {  	p0 =	sne.s32 s1, $0x6800;
	s9 =	smov.u32 s26;
	_ =	swait.ge @!p1 [sflag:s14], $0x2000  }
0x3e: {  	s5 =	sshra.s32 s30, $0x2;
	[sflag:s14] =	ssyncset.done @!p1 $0x0  }
0x3f: {  	s5 =	sadd.s32 $0x180, s5;
	[sflag:s14] =	ssyncadd.s32 @!p1 $0xFFFFE000  }
0x40: {  	[tilespmem:s16], [sflag:$0x4] =	stream.indirect.gather [hbm4b:s3+s11], $0x40, s5, s11, $0xb8;
	[tilespmem:$0x9A00] =	vst v63  }
0x41: {  	_ =	swait.ge [sflag:s17], $0x2000  }
0x42: {  	[sflag:s17] =	ssyncset.done $0x0  }
0x43: {  	[sflag:s17] =	ssyncadd.s32 $0xFFFFE000  }
0x44: {  	[hbm4b:s31+s2] =	stream.linear.scatter [tilespmem:s12], [sflag:$0x5], $0x2000, $0x38;
	[tilespmem:$0x9A00] =	vst v63  }
0x45: {  	p1 =	seq.s32 s30, $0x6000;
	_ =	swait.ge [sflag:s18], $0x2000  }
0x46: {  	s5 =	sshra.s32 @!p1 s30, $0x2;
	s14 =	simm.s32 @!p1 $0x1A00;
	[sflag:s18] =	ssyncset.done $0x0  }
0x47: {  	s10 =	simm.s32 @!p1 $0x80;
	s30 =	sadd.s32 @!p1 $0x200, s5;
	[sflag:s18] =	ssyncadd.s32 $0xFFFFE000  }
0x48: {  	[tilespmem:s14], [sflag:$0x1] =	stream.indirect.gather @!p1 [hbm4b:s3+s10], $0x40, s30, s10, $0xb8;
	[tilespmem:$0x9A00] =	vst v63  }
0x49: {  	s14 =	sadd.s32 @!p1 $0x280, s5;
	s5 =	sadd.s32 @!p1 $0x300, s5;
	_ =	swait.ge [sflag:s19], $0x2000  }
0x4a: {  	s30 =	smov.u32 s4;
	[sflag:s19] =	ssyncset.done $0x0  }
0x4b: {  	[sflag:s19] =	ssyncadd.s32 $0xFFFFE000  }
0x4c: {  	[hbm4b:s29+s2] =	stream.linear.scatter [tilespmem:s13], [sflag:$0x6], $0x2000, $0x38;
	[tilespmem:$0x9A00] =	vst v63  }
0x4d: {  	_ =	swait.ge [sflag:s20], $0x2000  }
0x4e: {  	[sflag:s20] =	ssyncset.done $0x0  }
0x4f: {  	s4 =	simm.s32 @!p1 $0x3A00;
	[sflag:s20] =	ssyncadd.s32 $0xFFFFE000  }
0x50: {  	[tilespmem:s4], [sflag:$0x2] =	stream.indirect.gather @!p1 [hbm4b:s3+s10], $0x40, s14, s10, $0xb8;
	[tilespmem:$0x9A00] =	vst v63  }
0x51: {  	_ =	swait.ge [sflag:s21], $0x2000  }
0x52: {  	[sflag:s21] =	ssyncset.done $0x0  }
0x53: {  	[sflag:s21] =	ssyncadd.s32 $0xFFFFE000  }
0x54: {  	[hbm4b:s28+s2] =	stream.linear.scatter [tilespmem:s15], [sflag:$0x7], $0x2000, $0x38;
	[tilespmem:$0x9A00] =	vst v63  }
0x55: {  	_ =	swait.ge [sflag:s22], $0x2000  }
.Ltmp0:
0x56: {  	[sflag:s22] =	ssyncset.done $0x0;
	(pc) =	sbr.rel @p0 .LBB2_2-.Ltmp0, $4  }
0x57: {  	s26 =	sadd.s32 $0x1000, s26;
	s4 =	simm.s32 @!p1 $0x5A00;
	[sflag:s22] =	ssyncadd.s32 $0xFFFFE000  }
0x58: {  	[tilespmem:s4], [sflag:$0x3] =	stream.indirect.gather @!p1 [hbm4b:s3+s10], $0x40, s5, s10, $0xb8;
	[tilespmem:$0x9A00] =	vst v63  }
0x59: {  	s29 =	sadd.s32 $0x1000, s29;
	s28 =	sadd.s32 $0x1000, s28;
	_ =	swait.ge [sflag:s23], $0x2000  }
0x5a: {  	s31 =	sadd.s32 $0x1000, s31;
	p1 =	seq.s32 s30, $0x0;
	[sflag:s23] =	ssyncset.done $0x0  }
0x5b: {  	s1 =	simm.s32 @!p1 $0x8;
	[sflag:s23] =	ssyncadd.s32 $0xFFFFE000  }
0x5c: {  	[hbm4b:s9+s2] =	stream.linear.scatter [tilespmem:s16], [sflag:$0x8], $0x2000, $0x38;
	[tilespmem:$0x9A00] =	vst v63  }
0x5d: {  	_ =	swait.ge @!p1 [sflag:s1], $0x2000  }
0x5e: {  	s4 =	sshra.s32 s30, $0x2;
	[sflag:s1] =	ssyncset.done @!p1 $0x0  }
0x5f: {  	s14 =	sadd.s32 $0x180, s4;
	[sflag:s1] =	ssyncadd.s32 @!p1 $0xFFFFE000  }
0x60: {  	[tilespmem:s16], [sflag:$0x4] =	stream.indirect.gather [hbm4b:s3+s11], $0x40, s14, s11, $0xb8;
	[tilespmem:$0x9A00] =	vst v63  }
0x61: {  	_ =	swait.ge [sflag:s17], $0x2000  }
0x62: {  	[sflag:s17] =	ssyncset.done $0x0  }
0x63: {  	[sflag:s17] =	ssyncadd.s32 $0xFFFFE000  }
0x64: {  	[hbm4b:s31+s2] =	stream.linear.scatter [tilespmem:s12], [sflag:$0x5], $0x2000, $0x38;
	[tilespmem:$0x9A00] =	vst v63  }
0x65: {  	p0 =	seq.s32 s30, $0x6000;
	_ =	swait.ge [sflag:s18], $0x2000  }
0x66: {  	s4 =	simm.s32 @!p0 $0x1A00;
	s1 =	sshra.s32 @!p0 s30, $0x2;
	[sflag:s18] =	ssyncset.done $0x0  }
0x67: {  	s9 =	simm.s32 @!p0 $0x80;
	s5 =	sadd.s32 @!p0 $0x200, s1;
	[sflag:s18] =	ssyncadd.s32 $0xFFFFE000  }
0x68: {  	[tilespmem:s4], [sflag:$0x1] =	stream.indirect.gather @!p0 [hbm4b:s3+s9], $0x40, s5, s9, $0xb8;
	[tilespmem:$0x9A00] =	vst v63  }
0x69: {  	_ =	swait.ge [sflag:s19], $0x2000  }
0x6a: {  	[sflag:s19] =	ssyncset.done $0x0  }
0x6b: {  	[sflag:s19] =	ssyncadd.s32 $0xFFFFE000  }
0x6c: {  	[hbm4b:s29+s2] =	stream.linear.scatter [tilespmem:s13], [sflag:$0x6], $0x2000, $0x38;
	[tilespmem:$0x9A00] =	vst v63  }
0x6d: {  	_ =	swait.ge [sflag:s20], $0x2000  }
0x6e: {  	[sflag:s20] =	ssyncset.done $0x0  }
0x6f: {  	s4 =	sadd.s32 @!p0 $0x280, s1;
	s5 =	simm.s32 @!p0 $0x3A00;
	[sflag:s20] =	ssyncadd.s32 $0xFFFFE000  }
0x70: {  	[tilespmem:s5], [sflag:$0x2] =	stream.indirect.gather @!p0 [hbm4b:s3+s9], $0x40, s4, s9, $0xb8;
	[tilespmem:$0x9A00] =	vst v63  }
0x71: {  	_ =	swait.ge [sflag:s21], $0x2000  }
0x72: {  	[sflag:s21] =	ssyncset.done $0x0  }
0x73: {  	[sflag:s21] =	ssyncadd.s32 $0xFFFFE000  }
0x74: {  	[hbm4b:s28+s2] =	stream.linear.scatter [tilespmem:s15], [sflag:$0x7], $0x2000, $0x38;
	[tilespmem:$0x9A00] =	vst v63  }
0x75: {  	_ =	swait.ge [sflag:s22], $0x2000  }
0x76: {  	[sflag:s22] =	ssyncset.done $0x0  }
0x77: {  	s1 =	sadd.s32 @!p0 $0x300, s1;
	s4 =	simm.s32 @!p0 $0x5A00;
	[sflag:s22] =	ssyncadd.s32 $0xFFFFE000  }
0x78: {  	[tilespmem:s4], [sflag:$0x3] =	stream.indirect.gather @!p0 [hbm4b:s3+s9], $0x40, s1, s9, $0xb8;
	[tilespmem:$0x9A00] =	vst v63  }
0x79: {  	_ =	swait.ge [sflag:s23], $0x2000  }
0x7a: {  	[sflag:s23] =	ssyncset.done $0x0  }
0x7b: {  	[sflag:s23] =	ssyncadd.s32 $0xFFFFE000  }
0x7c: {  	[hbm4b:s26+s2] =	stream.linear.scatter [tilespmem:s16], [sflag:$0x8], $0x2000, $0x38;
	[tilespmem:$0x9A00] =	vst v63  }
0x7d: {  	_ =	swait.ge [sflag:s24], $0x2000  }
0x7e: {  	s25 =	sadd.s32 $0x1, s25;
	s31 =	rddreg [dreg:$0x3]  }
0x7f: {  	p0 =	sne.s32 s25, s31  }
.Ltmp1:
0x80: {  	_ = 	snop;
	(pc) =	sbr.rel @p0 .LBB2_1-.Ltmp1, $3  }
0x81: {  	_ =	sdelay $0x1  }
0x82: {  	[sflag:s24] =	ssyncset.done $0x0  }
0x83: {  	[sflag:s24] =	ssyncadd.s32 $0xFFFFE000  }
0x84: {  	_ =	sfence.sel $0x180000  }
0x85: {  	[bflag:$0x0] =	sbarrier.arrive $0xFFFF  }
0x86: {  	_ =	strace $0x9000004A  }
0x87: {  	s0 =	stileid.u32;
	[bflag:$0x2] =	sbarrier.arrive $0xFFFF  }
0x88: {  	p0 =	sne.s32 s0, $0x0;
	s0 =	rddreg [dreg:$0x1]  }
0x89: {  	s0 =	sadd.s32 @!p0 $0x100000, s0  }
0x8a: {  	[sflag:s0] =	ssyncadd.tile.s32 @!p0 $0x1;
	_ =	shalt  }
.Lfunc_end2:
_tile_overlayer_lowered:
.L_overlay_start_2:
0x8b: {  	(tag) =	ssettag $0x2  }
0x8c: {  	s0 =	rddreg [dreg:$0x0];
	s2 =	stileid.u32  }
0x8d: {  	s1 =	rddreg [dreg:$0x1];
	p0 =	sne.s32 s2, $0x0  }
0x8e: {  	s3 =	rddreg [dreg:$0x2];
	[bflag:$0x3] =	sbarrier.arrive $0xFFFF;
	s2 =	simm.s32 @!p0 $0x1C09  }
0x8f: {  	[timem:s3], [sflag:s2] =	dma.local @!p0 [hbm:s0], s1  }
0x90: {  	s0 =	simm.s32 @!p0 $0x9  }
0x91: {  	_ =	swait.ge @!p0 [sflag:s0], s1  }
0x92: {  	s1 =	ssub.s32 @!p0 $0x0, s1;
	[sflag:s0] =	ssyncset.done @!p0 $0x0  }
0x93: {  	[sflag:s0] =	ssyncadd.s32 @!p0 s1  }
0x94: {  	[bflag:$0x3] =	sbarrier.arrive $0xFFFF  }
0x95: {  	_ =	shalt  }

// kernel: kernel.7.cloned.1.call-start
scs
__scs_entry_jumppad:
0x0: {  	(pc) =	sbr.rel $0x88, $3  }
0x1: {  	(tag) =	ssettag $0x0;
	lr =	simm.s32 $0x1  }
0x2: {  	[smem:$0x3F9B] =	sst lr;
	_ =	strace $0xD0000000  }
0x3: {  	_ = 	snop  }
0x4: {  	_ = 	snop  }
0x5: {  	_ = 	snop  }
0x6: {  	_ = 	snop  }
0x7: {  	_ = 	snop  }
__scs_overlays_trampoline_lowered:
0x8: {  	[smem:$0x3FAA] =	sst s0  }
0x9: {  	[smem:$0x3FAB] =	sst s1  }
0xa: {  	[smem:$0x3FAC] =	sst s2  }
0xb: {  	[smem:$0x3FAD] =	sst s3  }
0xc: {  	[smem:$0x3FAE] =	sst s4  }
0xd: {  	[smem:$0x3FAF] =	sst s5  }
0xe: {  	[smem:$0x3FB0] =	sst s6  }
0xf: {  	[smem:$0x3FB1] =	sst s7  }
0x10: {  	[smem:$0x3FB2] =	sst s8  }
0x11: {  	[smem:$0x3FB3] =	sst s9;
	s0 =	simm.s32 @!p0 $0x0  }
0x12: {  	s1 =	sld [smem:$0x3F99];
	s0 =	simm.s32 @p0 $0x1  }
0x13: {  	[smem:$0x3FB4] =	sst s0;
	s0 =	simm.s32 @!p1 $0x0  }
0x14: {  	s2 =	sld [smem:$0x3F98];
	s0 =	simm.s32 @p1 $0x1  }
0x15: {  	[smem:$0x3FB5] =	sst s0;
	s0 =	simm.s32 @!p2 $0x0  }
0x16: {  	s3 =	sld [smem:$0x3FDB];
	s0 =	simm.s32 @p2 $0x1  }
0x17: {  	s4 =	simm.s32 $0x1BF5;
	[smem:$0x3FB7] =	sst s0  }
0x18: {  	s0 =	sld [smem:$0x3F9A];
	_ =	swait.ge [sflag:s4], $0x0  }
0x19: {  	s7 =	sld [smem:$0x3F9B]  }
0x1a: {  	s8 =	sadd.s32 $0xFFFFE003, lr  }
0x1b: {  	s9 =	sadd.s32 $0xFFFFFEF7, lr;
	s5 =	simm.s32 $0xFFFFFFFF;
	p2 =	slt.u32 s8, $0xFFFFF086  }
0x1c: {  	p1 =	slt.u32 s9, $0xF7A;
	s5 =	simm.s32 @!p2 $0x0  }
0x1d: {  	s5 =	simm.s32 @p1 $0x1;
	p0 =	seq.s32 s7, s2  }
0x1e: {  	s7 =	smul.u32 @!p0 $0xF7A, s2;
	p2 =	seq.s32 @!p0 s5, $0x0  }
0x1f: {  	s9 =	smul.u32 $0xF7A, s1;
	s8 =	simm.s32 @!p0 $0x1BF5;
	p2 =	por !p2, p0  }
0x20: {  	[sflag:s8] =	ssyncset.s32 @!p0 $0xFFFFF086;
	s6 =	sadd.s32 @!p0 s3, s7;
	s7 =	simm.s32 @!p0 $0x108  }
0x21: {  	s3 =	sadd.s32 s3, s9;
	s6 =	sadd.s32 @!p0 $0x88, s6;
	s7 =	simm.s32 @p2 $0x1082  }
0x22: {  	[simem:s7], [sflag:s8] =	dma.local @!p0 [hbm:s6], $0xF7A  }
0x23: {  	s9 =	sor.u32 $0xD0000000, s2;
	s6 =	simm.s32 $0x108;
	_ =	swait.ge @!p0 [sflag:s8], $0x0  }
0x24: {  	s3 =	sadd.s32 $0x88, s3;
	s6 =	simm.s32 @!p1 $0x1082;
	[sflag:s4] =	ssyncset.s32 $0xFFFFF086  }
0x25: {  	[simem:s6], [sflag:s4] =	dma.local [hbm:s3], $0xF7A  }
0x26: {  	[smem:$0x3F9B] =	sst s1;
	(tag) =	ssettag s2;
	_ =	strace s9  }
0x27: {  	s1 =	sld [smem:$0x3FAB]  }
0x28: {  	s2 =	sld [smem:$0x3FAC]  }
0x29: {  	s4 =	sld [smem:$0x3FAE]  }
0x2a: {  	p0 =	seq.s32 s5, $0x0;
	s5 =	sld [smem:$0x3FAF]  }
0x2b: {  	s6 =	sld [smem:$0x3FB0]  }
0x2c: {  	s7 =	sld [smem:$0x3FB1]  }
0x2d: {  	s3 =	simm.s32 $0x108;
	s8 =	sld [smem:$0x3FB2]  }
0x2e: {  	s3 =	simm.s32 @!p0 $0x1082;
	s9 =	sld [smem:$0x3FB3]  }
0x2f: {  	lr =	sadd.s32 s0, s3;
	s0 =	sld [smem:$0x3FAA]  }
0x30: {  	s3 =	sld [smem:$0x3FAD]  }
0x31: {  	[smem:$0x3FB6] =	sst s10  }
0x32: {  	s10 =	sld [smem:$0x3FB4];
	_ =	sdelay $0x3  }
0x33: {  	p0 =	seq.s32 s10, $0x1;
	s10 =	sld [smem:$0x3FB6];
	_ =	sdelay $0x3  }
0x34: {  	[smem:$0x3FB6] =	sst s10  }
0x35: {  	s10 =	sld [smem:$0x3FB5];
	_ =	sdelay $0x3  }
0x36: {  	p1 =	seq.s32 s10, $0x1;
	s10 =	sld [smem:$0x3FB6];
	_ =	sdelay $0x3  }
0x37: {  	[smem:$0x3FB6] =	sst s10  }
0x38: {  	s10 =	sld [smem:$0x3FB7]  }
0x39: {  	_ = 	snop;
	(pc) =	sbr.ind lr, $3  }
0x3a: {  	_ = 	snop  }
0x3b: {  	_ = 	snop  }
0x3c: {  	p2 =	seq.s32 s10, $0x1;
	s10 =	sld [smem:$0x3FB6]  }
0x3d: {  	_ =	shalt  }
0x3e: {  	_ =	shalt  }
0x3f: {  	_ =	shalt  }
0x40: {  	_ =	shalt  }
0x41: {  	_ =	shalt  }
0x42: {  	_ =	shalt  }
0x43: {  	_ =	shalt  }
0x44: {  	_ =	shalt  }
0x45: {  	_ =	shalt  }
0x46: {  	_ =	shalt  }
0x47: {  	_ =	shalt  }
0x48: {  	_ =	shalt  }
0x49: {  	_ =	shalt  }
0x4a: {  	_ =	shalt  }
0x4b: {  	_ =	shalt  }
0x4c: {  	_ =	shalt  }
0x4d: {  	_ =	shalt  }
0x4e: {  	_ =	shalt  }
0x4f: {  	_ =	shalt  }
0x50: {  	_ =	shalt  }
0x51: {  	_ =	shalt  }
0x52: {  	_ =	shalt  }
0x53: {  	_ =	shalt  }
0x54: {  	_ =	shalt  }
0x55: {  	_ =	shalt  }
0x56: {  	_ =	shalt  }
0x57: {  	_ =	shalt  }
0x58: {  	_ =	shalt  }
0x59: {  	_ =	shalt  }
0x5a: {  	_ =	shalt  }
0x5b: {  	_ =	shalt  }
0x5c: {  	_ =	shalt  }
0x5d: {  	_ =	shalt  }
0x5e: {  	_ =	shalt  }
0x5f: {  	_ =	shalt  }
0x60: {  	_ =	shalt  }
0x61: {  	_ =	shalt  }
0x62: {  	_ =	shalt  }
0x63: {  	_ =	shalt  }
0x64: {  	_ =	shalt  }
0x65: {  	_ =	shalt  }
0x66: {  	_ =	shalt  }
0x67: {  	_ =	shalt  }
0x68: {  	_ =	shalt  }
0x69: {  	_ =	shalt  }
0x6a: {  	_ =	shalt  }
0x6b: {  	_ =	shalt  }
0x6c: {  	_ =	shalt  }
0x6d: {  	_ =	shalt  }
0x6e: {  	_ =	shalt  }
0x6f: {  	_ =	shalt  }
0x70: {  	_ =	shalt  }
0x71: {  	_ =	shalt  }
0x72: {  	_ =	shalt  }
0x73: {  	_ =	shalt  }
0x74: {  	_ =	shalt  }
0x75: {  	_ =	shalt  }
0x76: {  	_ =	shalt  }
0x77: {  	_ =	shalt  }
0x78: {  	_ =	shalt  }
0x79: {  	_ =	shalt  }
0x7a: {  	_ =	shalt  }
0x7b: {  	_ =	shalt  }
0x7c: {  	_ =	shalt  }
0x7d: {  	_ =	shalt  }
0x7e: {  	_ =	shalt  }
0x7f: {  	_ =	shalt  }
0x80: {  	_ =	shalt  }
0x81: {  	_ =	shalt  }
0x82: {  	_ =	shalt  }
0x83: {  	_ =	shalt  }
0x84: {  	_ =	shalt  }
0x85: {  	_ =	shalt  }
0x86: {  	_ =	shalt  }
0x87: {  	_ =	shalt  }
.Lfunc_end0:
.L_simem_size_0:
called_computation_lowered:
.L_overlay_start_0:
0x88: {  	s2 =	sld [smem:$0x3FD9]  }
0x89: {  	s3 =	sld [smem:$0x3FFE];
	_ =	sdelay $0x1  }
0x8a: {  	s1 =	srdreg.scid  }
0x8b: {  	s0 =	sand.u32 $0x1, s1  }
0x8c: {  	s16 =	sshll.u32 s0, $0xA;
	s2 =	sadd.s32 s3, s2  }
0x8d: {  	s2 =	sadd.s32 s2, s16  }
0x8e: {  	[smem:$0x3FC2] =	sst s2  }
0x8f: {  	_ = 	snop  }
0x90: {  	(tm) =	ssettm $0x1  }
0x91: {  	s17 =	sld [smem:$0x3FFB];
	_ =	sdelay $0x3  }
0x92: {  	_ =	strace s17  }
0x93: {  	s2 =	sld [smem:$0x3FFC];
	_ =	sdelay $0x3  }
0x94: {  	_ =	strace s2  }
0x95: {  	s2 =	sld [smem:$0x3FFD];
	_ =	sdelay $0x3  }
0x96: {  	_ =	strace s2  }
0x97: {  	_ =	strace $0x8FFFFFFF  }
0x98: {  	s18 =	sld [smem:$0x3FDB];
	_ =	sdelay $0x1  }
0x99: {  	s19 =	simm.s32 $_scs_section_size  }
0x9a: {  	s4 =	simm.s32 $_size__tile_overlayer_lowered;
	s5 =	simm.s32 $_tile_overlayer_lowered  }
0x9b: {  	s22 =	simm.s32 $0x1BFF;
	s21 =	sshll.u32 s5, $0x1;
	s2 =	sadd.s32 s19, s18  }
0x9c: {  	s6 =	simm.s32 $0x0;
	s20 =	sshll.u32 s4, $0x1;
	s4 =	sadd.s32 s21, s2  }
0x9d: {  	[timem:s6], [sflag:s22] =	dma.local [hbm:s4], s20  }
0x9e: {  	_ =	swait.ge [sflag:s22], s20  }
0x9f: {  	s3 =	ssub.s32 $0x0, s20;
	[sflag:s22] =	ssyncset.done $0x0  }
0xa0: {  	[sflag:s22] =	ssyncadd.s32 s3;
	_ =	sdelay $0x1  }
0xa1: {  	s23 =	simm.s32 $0x1B8B  }
0xa2: {  	_ =	swait.ge [sflag:s23], $0x1  }
0xa3: {  	[sflag:s23] =	ssyncset.done $0x0  }
0xa4: {  	s25 =	simm.s32 $0x1B8E;
	s24 =	sld [smem:$0x3FFE];
	[sflag:s23] =	ssyncadd.s32 $0xFFFFFFFF  }
0xa5: {  	s26 =	simm.s32 $execute0_lowered;
	[smem:$0x3FD2] =	sst s25  }
0xa6: {  	s4 =	sshll.u32 s26, $0x1;
	_ =	strace $0x80000046;
	[dreg:$0x1] =	wrdreg $0xFFFFFFFF  }
0xa7: {  	s28 =	simm.s32 $_size_execute0_lowered;
	s2 =	sadd.s32 s2, s4;
	[dreg:$0x0] =	wrdreg $0x0  }
0xa8: {  	s4 =	sshll.u32 s28, $0x1;
	[dreg:$0x2] =	wrdreg s2  }
0xa9: {  	[dreg:$0x3] =	wrdreg s4  }
0xaa: {  	[dreg:$0x4] =	wrdreg $0xC0  }
0xab: {  	_ =	task [dreg:s6], $0x5FFFF  }
0xac: {  	[dreg:$0x1] =	wrdreg $0xFFFFFFFF  }
0xad: {  	[dreg:$0x0] =	wrdreg $0x60  }
0xae: {  	[dreg:$0x2] =	wrdreg s24  }
0xaf: {  	[dreg:$0x3] =	wrdreg $0x9  }
0xb0: {  	_ =	task.clear_ibuf [dreg:s6], $0x4FFFF;
	_ =	strace $0x90000046  }
0xb1: {  	s29 =	simm.s32 $0x9;
	_ =	strace $0x80000048  }
0xb2: {  	_ =	swait.ge [sflag:s29], $0x1  }
0xb3: {  	[sflag:s29] =	ssyncadd.s32 $0xFFFFFFFF  }
0xb4: {  	_ =	strace $0x90000048  }
0xb5: {  	_ =	sfence  }
0xb6: {  	s30 =	sld [smem:$0x0];
	_ =	sdelay $0x2  }
0xb7: {  	s31 =	sshll.u32 s1, $0xD;
	s1 =	sshrl.u32 s1, $0x2  }
0xb8: {  	s3 =	sand.u32 $0x4000, s31;
	s1 =	sadd.s32 s1, s30  }
0xb9: {  	s0 =	sor.u32 s3, s0;
	s1 =	sshll.u32 s1, $0x11  }
0xba: {  	s0 =	sor.u32 s1, s0  }
0xbb: {  	s0 =	sadd.s32 $0x8F2B, s0  }
0xbc: {  	[sflag:s0] =	ssyncadd.remote.s32 $0x1  }
0xbd: {  	_ =	sfence.sel $0xFFFF  }
0xbe: {  	[dreg:$0x0] =	wrdreg $0xFFFFFFFF;
	(pc) =	sbr.abs _section_cstart, $3  }
0xbf: {  	[dreg:$0x1] =	wrdreg $0xFFFFFFFF  }
0xc0: {  	_ =	task.clear_ibuf [dreg:s6], $0x2FFFF;
	_ =	strace $0x9FFFFFFF  }
0xc1: {  	(tm) =	ssettm $0x7FFFFFFF  }
tec
execute0_lowered:
.L_overlay_start_1:
0x0: {  	(tag) =	ssettag $0x1  }
0x1: {  	s0 =	srdreg.scid;
	s5 =	stileid.u32  }
0x2: {  	s1 =	rddreg [dreg:$0x0];
	s2 =	simm.s32 $0x0;
	s11 =	simm.s32 $0x80  }
0x3: {  	s12 =	simm.s32 $0x1A00;
	s13 =	simm.s32 $0x3A00;
	s15 =	simm.s32 $0x5A00  }
0x4: {  	s16 =	simm.s32 $0x7A00;
	s17 =	simm.s32 $0x1;
	s18 =	simm.s32 $0x5  }
0x5: {  	s19 =	simm.s32 $0x2;
	s20 =	simm.s32 $0x6;
	s21 =	simm.s32 $0x3  }
0x6: {  	s22 =	simm.s32 $0x7;
	s23 =	simm.s32 $0x4;
	s6 =	smul.u32 $0xD0000, s5  }
0x7: {  	s0 =	sand.u32 $0x1, s0;
	s3 =	sshll.u32 s5, $0x1;
	s5 =	smul.u32 $0x3400, s5  }
0x8: {  	s24 =	simm.s32 $0x8;
	s25 =	simm.s32 $0x0;
	s8 =	smul.u32 $0x1A00, s0  }
0x9: {  	s3 =	sor.u32 s0, s3;
	s7 =	ssub.s32 $0x2, s0;
	s0 =	smul.u32 $0x68000, s0  }
0xa: {  	[smem:$0x7FF] =	sst s2;
	s4 =	smul.u32 $0x1A00, s3;
	s9 =	sshrl.u32 s7, $0x1  }
0xb: {  	_ =	strace $0x80000047;
	s3 =	sadd.s32 $0x7A00, s1;
	s7 =	ssub.s32 s7, s9  }
0xc: {  	s8 =	sadd.s32 s8, s5;
	s0 =	sadd.s32 s0, s6;
	s4 =	sshrl.u32 s4, $0x3  }
0xd: {  	s29 =	smax.u32 s7, $0x1;
	s30 =	sshll.u32 s8, $0x3;
	s31 =	sshrl.u32 s0, $0x3  }
0xe: {  	s0 =	sor.u32 $0x6000, s0;
	s4 =	sadd.s32 s4, s1;
	s1 =	sadd.s32 $0xCB000, s1  }
0xf: {  	[dreg:$0x3] =	wrdreg s29;
	s0 =	sshrl.u32 s0, $0x3;
	s4 =	sadd.s32 $0x1200, s4  }
0x10: {  	s8 =	sadd.s32 s30, s1;
	s6 =	sadd.s32 s31, s1;
	s0 =	sadd.s32 s0, s1  }
0x11: {  	[dreg:$0x2] =	wrdreg s4;
	s7 =	sadd.s32 $0x800, s8;
	s8 =	sadd.s32 $0x400, s8  }
.LBB2_1:
0x12: {  	s1 =	rddreg [dreg:$0x2];
	s10 =	simm.s32 $0x9  }
0x13: {  	[tilespmem:s2], [sflag:$0x9] =	stream.linear.gather [hbm4b:s1+s2], $0x1A00, $0x38;
	[tilespmem:$0x9A00] =	vst v63  }
0x14: {  	_ =	swait.ge [sflag:s10], $0x1A00  }
0x15: {  	[sflag:s10] =	ssyncset.done $0x0  }
0x16: {  	[sflag:s10] =	ssyncadd.s32 $0xFFFFE600  }
0x17: {  	[tilespmem:s12], [sflag:$0x1] =	stream.indirect.gather [hbm4b:s3+s11], $0x40, s2, s11, $0xb8;
	[tilespmem:$0x9A00] =	vst v63  }
0x18: {  	p0 =	por $0x1, $0x1  }
0x19: {  	[tilespmem:s13], [sflag:$0x2] =	stream.indirect.gather [hbm4b:s3+s11], $0x40, s11, s11, $0xb8;
	[tilespmem:$0x9A00] =	vst v63  }
0x1a: {  	s14 =	simm.s32 $0x100;
	s1 =	simm.s32 @!p0 $0x8  }
0x1b: {  	[tilespmem:s15], [sflag:$0x3] =	stream.indirect.gather [hbm4b:s3+s11], $0x40, s14, s11, $0xb8;
	[tilespmem:$0x9A00] =	vst v63  }
0x1c: {  	_ =	swait.ge @!p0 [sflag:s1], $0x2000  }
0x1d: {  	[sflag:s1] =	ssyncset.done @!p0 $0x0  }
0x1e: {  	s26 =	simm.s32 $0x180;
	[sflag:s1] =	ssyncadd.s32 @!p0 $0xFFFFE000  }
0x1f: {  	[tilespmem:s16], [sflag:$0x4] =	stream.indirect.gather [hbm4b:s3+s11], $0x40, s26, s11, $0xb8;
	[tilespmem:$0x9A00] =	vst v63  }
0x20: {  	_ =	swait.ge [sflag:s17], $0x2000  }
0x21: {  	[sflag:s17] =	ssyncset.done $0x0  }
0x22: {  	[sflag:s17] =	ssyncadd.s32 $0xFFFFE000  }
0x23: {  	[hbm4b:s6+s2] =	stream.linear.scatter [tilespmem:s12], [sflag:$0x5], $0x2000, $0x38;
	[tilespmem:$0x9A00] =	vst v63  }
0x24: {  	p0 =	por $0x0, $0x0;
	_ =	swait.ge [sflag:s18], $0x2000  }
0x25: {  	s1 =	simm.s32 @!p0 $0x1A00;
	[sflag:s18] =	ssyncset.done $0x0  }
0x26: {  	s9 =	simm.s32 @!p0 $0x200;
	s28 =	simm.s32 @!p0 $0x80;
	[sflag:s18] =	ssyncadd.s32 $0xFFFFE000  }
0x27: {  	[tilespmem:s1], [sflag:$0x1] =	stream.indirect.gather @!p0 [hbm4b:s3+s28], $0x40, s9, s28, $0xb8;
	[tilespmem:$0x9A00] =	vst v63  }
0x28: {  	_ =	swait.ge [sflag:s19], $0x2000  }
0x29: {  	[sflag:s19] =	ssyncset.done $0x0  }
0x2a: {  	[sflag:s19] =	ssyncadd.s32 $0xFFFFE000  }
0x2b: {  	[hbm4b:s8+s2] =	stream.linear.scatter [tilespmem:s13], [sflag:$0x6], $0x2000, $0x38;
	[tilespmem:$0x9A00] =	vst v63  }
0x2c: {  	_ =	swait.ge [sflag:s20], $0x2000  }
0x2d: {  	[sflag:s20] =	ssyncset.done $0x0  }
0x2e: {  	s1 =	simm.s32 @!p0 $0x280;
	s9 =	simm.s32 @!p0 $0x3A00;
	[sflag:s20] =	ssyncadd.s32 $0xFFFFE000  }
0x2f: {  	[tilespmem:s9], [sflag:$0x2] =	stream.indirect.gather @!p0 [hbm4b:s3+s28], $0x40, s1, s28, $0xb8;
	[tilespmem:$0x9A00] =	vst v63  }
0x30: {  	_ =	swait.ge [sflag:s21], $0x2000  }
0x31: {  	[sflag:s21] =	ssyncset.done $0x0  }
0x32: {  	[sflag:s21] =	ssyncadd.s32 $0xFFFFE000  }
0x33: {  	[hbm4b:s7+s2] =	stream.linear.scatter [tilespmem:s15], [sflag:$0x7], $0x2000, $0x38;
	[tilespmem:$0x9A00] =	vst v63  }
0x34: {  	s30 =	simm.s32 $0x800;
	p1 =	por $0x0, $0x0;
	_ =	swait.ge [sflag:s22], $0x2000  }
0x35: {  	s31 =	sadd.s32 $0x1000, s6;
	s29 =	simm.s32 @!p0 $0x5A00;
	[sflag:s22] =	ssyncset.done $0x0  }
0x36: {  	s26 =	sadd.s32 $0x1000, s0;
	s9 =	simm.s32 @!p0 $0x300;
	[sflag:s22] =	ssyncadd.s32 $0xFFFFE000  }
0x37: {  	[tilespmem:s29], [sflag:$0x3] =	stream.indirect.gather @!p0 [hbm4b:s3+s28], $0x40, s9, s28, $0xb8;
	[tilespmem:$0x9A00] =	vst v63  }
0x38: {  	s1 =	simm.s32 $0x1000;
	s28 =	sadd.s32 $0x1000, s7;
	_ =	swait.ge [sflag:s23], $0x2000  }
0x39: {  	s29 =	sadd.s32 $0x1000, s8;
	s9 =	smov.u32 s0;
	[sflag:s23] =	ssyncset.done $0x0  }
.LBB2_2:
0x3a: {  	s14 =	simm.s32 @!p1 $0x8  }
0x3b: {  	[sflag:s23] =	ssyncadd.s32 $0xFFFFE000;
	s4 =	smov.u32 s1;
	s1 =	sadd.s32 $0x800, s1  }
0x3c: {  	[hbm4b:s9+s2] =	stream.linear.scatter [tilespmem:s16], [sflag:$0x8], $0x2000, $0x38;
	[tilespmem:$0x9A00] =	vst v63  }
0x3d: {  	p0 =	sne.s32 s1, $0x6800;
	s9 =	smov.u32 s26;
	_ =	swait.ge @!p1 [sflag:s14], $0x2000  }
0x3e: {  	s5 =	sshra.s32 s30, $0x2;
	[sflag:s14] =	ssyncset.done @!p1 $0x0  }
0x3f: {  	s5 =	sadd.s32 $0x180, s5;
	[sflag:s14] =	ssyncadd.s32 @!p1 $0xFFFFE000  }
0x40: {  	[tilespmem:s16], [sflag:$0x4] =	stream.indirect.gather [hbm4b:s3+s11], $0x40, s5, s11, $0xb8;
	[tilespmem:$0x9A00] =	vst v63  }
0x41: {  	_ =	swait.ge [sflag:s17], $0x2000  }
0x42: {  	[sflag:s17] =	ssyncset.done $0x0  }
0x43: {  	[sflag:s17] =	ssyncadd.s32 $0xFFFFE000  }
0x44: {  	[hbm4b:s31+s2] =	stream.linear.scatter [tilespmem:s12], [sflag:$0x5], $0x2000, $0x38;
	[tilespmem:$0x9A00] =	vst v63  }
0x45: {  	p1 =	seq.s32 s30, $0x6000;
	_ =	swait.ge [sflag:s18], $0x2000  }
0x46: {  	s5 =	sshra.s32 @!p1 s30, $0x2;
	s14 =	simm.s32 @!p1 $0x1A00;
	[sflag:s18] =	ssyncset.done $0x0  }
0x47: {  	s10 =	simm.s32 @!p1 $0x80;
	s30 =	sadd.s32 @!p1 $0x200, s5;
	[sflag:s18] =	ssyncadd.s32 $0xFFFFE000  }
0x48: {  	[tilespmem:s14], [sflag:$0x1] =	stream.indirect.gather @!p1 [hbm4b:s3+s10], $0x40, s30, s10, $0xb8;
	[tilespmem:$0x9A00] =	vst v63  }
0x49: {  	s14 =	sadd.s32 @!p1 $0x280, s5;
	s5 =	sadd.s32 @!p1 $0x300, s5;
	_ =	swait.ge [sflag:s19], $0x2000  }
0x4a: {  	s30 =	smov.u32 s4;
	[sflag:s19] =	ssyncset.done $0x0  }
0x4b: {  	[sflag:s19] =	ssyncadd.s32 $0xFFFFE000  }
0x4c: {  	[hbm4b:s29+s2] =	stream.linear.scatter [tilespmem:s13], [sflag:$0x6], $0x2000, $0x38;
	[tilespmem:$0x9A00] =	vst v63  }
0x4d: {  	_ =	swait.ge [sflag:s20], $0x2000  }
0x4e: {  	[sflag:s20] =	ssyncset.done $0x0  }
0x4f: {  	s4 =	simm.s32 @!p1 $0x3A00;
	[sflag:s20] =	ssyncadd.s32 $0xFFFFE000  }
0x50: {  	[tilespmem:s4], [sflag:$0x2] =	stream.indirect.gather @!p1 [hbm4b:s3+s10], $0x40, s14, s10, $0xb8;
	[tilespmem:$0x9A00] =	vst v63  }
0x51: {  	_ =	swait.ge [sflag:s21], $0x2000  }
0x52: {  	[sflag:s21] =	ssyncset.done $0x0  }
0x53: {  	[sflag:s21] =	ssyncadd.s32 $0xFFFFE000  }
0x54: {  	[hbm4b:s28+s2] =	stream.linear.scatter [tilespmem:s15], [sflag:$0x7], $0x2000, $0x38;
	[tilespmem:$0x9A00] =	vst v63  }
0x55: {  	_ =	swait.ge [sflag:s22], $0x2000  }
.Ltmp0:
0x56: {  	[sflag:s22] =	ssyncset.done $0x0;
	(pc) =	sbr.rel @p0 .LBB2_2-.Ltmp0, $4  }
0x57: {  	s26 =	sadd.s32 $0x1000, s26;
	s4 =	simm.s32 @!p1 $0x5A00;
	[sflag:s22] =	ssyncadd.s32 $0xFFFFE000  }
0x58: {  	[tilespmem:s4], [sflag:$0x3] =	stream.indirect.gather @!p1 [hbm4b:s3+s10], $0x40, s5, s10, $0xb8;
	[tilespmem:$0x9A00] =	vst v63  }
0x59: {  	s29 =	sadd.s32 $0x1000, s29;
	s28 =	sadd.s32 $0x1000, s28;
	_ =	swait.ge [sflag:s23], $0x2000  }
0x5a: {  	s31 =	sadd.s32 $0x1000, s31;
	p1 =	seq.s32 s30, $0x0;
	[sflag:s23] =	ssyncset.done $0x0  }
0x5b: {  	s1 =	simm.s32 @!p1 $0x8;
	[sflag:s23] =	ssyncadd.s32 $0xFFFFE000  }
0x5c: {  	[hbm4b:s9+s2] =	stream.linear.scatter [tilespmem:s16], [sflag:$0x8], $0x2000, $0x38;
	[tilespmem:$0x9A00] =	vst v63  }
0x5d: {  	_ =	swait.ge @!p1 [sflag:s1], $0x2000  }
0x5e: {  	s4 =	sshra.s32 s30, $0x2;
	[sflag:s1] =	ssyncset.done @!p1 $0x0  }
0x5f: {  	s14 =	sadd.s32 $0x180, s4;
	[sflag:s1] =	ssyncadd.s32 @!p1 $0xFFFFE000  }
0x60: {  	[tilespmem:s16], [sflag:$0x4] =	stream.indirect.gather [hbm4b:s3+s11], $0x40, s14, s11, $0xb8;
	[tilespmem:$0x9A00] =	vst v63  }
0x61: {  	_ =	swait.ge [sflag:s17], $0x2000  }
0x62: {  	[sflag:s17] =	ssyncset.done $0x0  }
0x63: {  	[sflag:s17] =	ssyncadd.s32 $0xFFFFE000  }
0x64: {  	[hbm4b:s31+s2] =	stream.linear.scatter [tilespmem:s12], [sflag:$0x5], $0x2000, $0x38;
	[tilespmem:$0x9A00] =	vst v63  }
0x65: {  	p0 =	seq.s32 s30, $0x6000;
	_ =	swait.ge [sflag:s18], $0x2000  }
0x66: {  	s4 =	simm.s32 @!p0 $0x1A00;
	s1 =	sshra.s32 @!p0 s30, $0x2;
	[sflag:s18] =	ssyncset.done $0x0  }
0x67: {  	s9 =	simm.s32 @!p0 $0x80;
	s5 =	sadd.s32 @!p0 $0x200, s1;
	[sflag:s18] =	ssyncadd.s32 $0xFFFFE000  }
0x68: {  	[tilespmem:s4], [sflag:$0x1] =	stream.indirect.gather @!p0 [hbm4b:s3+s9], $0x40, s5, s9, $0xb8;
	[tilespmem:$0x9A00] =	vst v63  }
0x69: {  	_ =	swait.ge [sflag:s19], $0x2000  }
0x6a: {  	[sflag:s19] =	ssyncset.done $0x0  }
0x6b: {  	[sflag:s19] =	ssyncadd.s32 $0xFFFFE000  }
0x6c: {  	[hbm4b:s29+s2] =	stream.linear.scatter [tilespmem:s13], [sflag:$0x6], $0x2000, $0x38;
	[tilespmem:$0x9A00] =	vst v63  }
0x6d: {  	_ =	swait.ge [sflag:s20], $0x2000  }
0x6e: {  	[sflag:s20] =	ssyncset.done $0x0  }
0x6f: {  	s4 =	sadd.s32 @!p0 $0x280, s1;
	s5 =	simm.s32 @!p0 $0x3A00;
	[sflag:s20] =	ssyncadd.s32 $0xFFFFE000  }
0x70: {  	[tilespmem:s5], [sflag:$0x2] =	stream.indirect.gather @!p0 [hbm4b:s3+s9], $0x40, s4, s9, $0xb8;
	[tilespmem:$0x9A00] =	vst v63  }
0x71: {  	_ =	swait.ge [sflag:s21], $0x2000  }
0x72: {  	[sflag:s21] =	ssyncset.done $0x0  }
0x73: {  	[sflag:s21] =	ssyncadd.s32 $0xFFFFE000  }
0x74: {  	[hbm4b:s28+s2] =	stream.linear.scatter [tilespmem:s15], [sflag:$0x7], $0x2000, $0x38;
	[tilespmem:$0x9A00] =	vst v63  }
0x75: {  	_ =	swait.ge [sflag:s22], $0x2000  }
0x76: {  	[sflag:s22] =	ssyncset.done $0x0  }
0x77: {  	s1 =	sadd.s32 @!p0 $0x300, s1;
	s4 =	simm.s32 @!p0 $0x5A00;
	[sflag:s22] =	ssyncadd.s32 $0xFFFFE000  }
0x78: {  	[tilespmem:s4], [sflag:$0x3] =	stream.indirect.gather @!p0 [hbm4b:s3+s9], $0x40, s1, s9, $0xb8;
	[tilespmem:$0x9A00] =	vst v63  }
0x79: {  	_ =	swait.ge [sflag:s23], $0x2000  }
0x7a: {  	[sflag:s23] =	ssyncset.done $0x0  }
0x7b: {  	[sflag:s23] =	ssyncadd.s32 $0xFFFFE000  }
0x7c: {  	[hbm4b:s26+s2] =	stream.linear.scatter [tilespmem:s16], [sflag:$0x8], $0x2000, $0x38;
	[tilespmem:$0x9A00] =	vst v63  }
0x7d: {  	_ =	swait.ge [sflag:s24], $0x2000  }
0x7e: {  	s25 =	sadd.s32 $0x1, s25;
	s31 =	rddreg [dreg:$0x3]  }
0x7f: {  	p0 =	sne.s32 s25, s31  }
.Ltmp1:
0x80: {  	_ = 	snop;
	(pc) =	sbr.rel @p0 .LBB2_1-.Ltmp1, $3  }
0x81: {  	_ =	sdelay $0x1  }
0x82: {  	[sflag:s24] =	ssyncset.done $0x0  }
0x83: {  	[sflag:s24] =	ssyncadd.s32 $0xFFFFE000  }
0x84: {  	_ =	sfence.sel $0x180000  }
0x85: {  	[bflag:$0x0] =	sbarrier.arrive $0xFFFF  }
0x86: {  	_ =	strace $0x90000047  }
0x87: {  	s0 =	stileid.u32;
	[bflag:$0x2] =	sbarrier.arrive $0xFFFF  }
0x88: {  	p0 =	sne.s32 s0, $0x0;
	s0 =	rddreg [dreg:$0x1]  }
0x89: {  	s0 =	sadd.s32 @!p0 $0x100000, s0  }
0x8a: {  	[sflag:s0] =	ssyncadd.tile.s32 @!p0 $0x1;
	_ =	shalt  }
.Lfunc_end2:
_tile_overlayer_lowered:
.L_overlay_start_2:
0x8b: {  	(tag) =	ssettag $0x2  }
0x8c: {  	s0 =	rddreg [dreg:$0x0];
	s2 =	stileid.u32  }
0x8d: {  	s1 =	rddreg [dreg:$0x1];
	p0 =	sne.s32 s2, $0x0  }
0x8e: {  	s3 =	rddreg [dreg:$0x2];
	[bflag:$0x3] =	sbarrier.arrive $0xFFFF;
	s2 =	simm.s32 @!p0 $0x1C09  }
0x8f: {  	[timem:s3], [sflag:s2] =	dma.local @!p0 [hbm:s0], s1  }
0x90: {  	s0 =	simm.s32 @!p0 $0x9  }
0x91: {  	_ =	swait.ge @!p0 [sflag:s0], s1  }
0x92: {  	s1 =	ssub.s32 @!p0 $0x0, s1;
	[sflag:s0] =	ssyncset.done @!p0 $0x0  }
0x93: {  	[sflag:s0] =	ssyncadd.s32 @!p0 s1  }
0x94: {  	[bflag:$0x3] =	sbarrier.arrive $0xFFFF  }
0x95: {  	_ =	shalt  }

</sc_bundles>
